<compile_context>
chip_gen: v7x
topology: tpu7x:2x2x1
jax: 0.10.2.dev20260603
libtpu: 0.0.44.dev20260713+nightly
codegen_flags: <defaults>
</compile_context>

<pallas_src>
import functools

import jax
import jax.numpy as jnp
from jax import lax
from jax.experimental import pallas as pl
from jax.experimental.pallas import tpu as pltpu
from jax.experimental.pallas import tpu_sc as plsc

_NW = 32


def kernel(input_ids, word_embeddings, position_embeddings):
    B, S = input_ids.shape
    V, D = word_embeddings.shape
    L = 16
    SP = ((S + L - 1) // L) * L + L
    bpw = B // _NW
    word2 = jnp.pad(word_embeddings, ((0, 0), (0, D)))
    pos_flat = position_embeddings.reshape(-1)
    mesh = plsc.VectorSubcoreMesh(core_axis_name="c", subcore_axis_name="s")

    @functools.partial(
        pl.kernel,
        mesh=mesh,
        out_type=jax.ShapeDtypeStruct((B, S, D), jnp.float32),
        scratch_types=[
            [pltpu.VMEM((SP,), jnp.int32) for _ in range(4)],
            [pltpu.VMEM((S, 2 * D), jnp.float32) for _ in range(2)],
            [pltpu.VMEM((S, D), jnp.float32) for _ in range(2)],
            pltpu.VMEM((S * D,), jnp.float32),
            [pltpu.SemaphoreType.DMA for _ in range(4)],
            [pltpu.SemaphoreType.DMA for _ in range(2)],
            [pltpu.SemaphoreType.DMA for _ in range(2)],
        ],
    )
    def body(ids_hbm, word_hbm, pos_hbm, out_hbm,
             idxs, rows, obufs, pos_v, isems, gsems, ssems):
        wid = lax.axis_index("s") * 2 + lax.axis_index("c")
        base = wid * bpw
        pltpu.sync_copy(pos_hbm.at[pl.ds(0, S * D)], pos_v)

        def issue_ids(ci, ib):
            pltpu.async_copy(
                ids_hbm.at[pl.ds((base + ci) * S, S)],
                idxs[ib].at[pl.ds(0, S)], isems[ib],
            )

        def wait_ids(ib):
            pltpu.make_async_copy(
                ids_hbm.at[pl.ds(base * S, S)],
                idxs[ib].at[pl.ds(0, S)], isems[ib],
            ).wait()

        def issue_gather(g, ib):
            h1 = (S // 2 + 7) // 8 * 8
            pltpu.async_copy(
                word_hbm.at[idxs[ib].at[pl.ds(0, h1)]],
                rows[g].at[pl.ds(0, h1)], gsems[g],
            )
            pltpu.async_copy(
                word_hbm.at[idxs[ib].at[pl.ds(h1, S - h1)]],
                rows[g].at[pl.ds(h1, S - h1)], gsems[g],
            )

        def wait_gather(g):
            pltpu.make_async_copy(
                word_hbm.at[idxs[0].at[pl.ds(0, S)]], rows[g], gsems[g]
            ).wait()

        def issue_scatter(ci, ob):
            pltpu.async_copy(obufs[ob], out_hbm.at[base + ci], ssems[ob])

        def wait_scatter(ob):
            pltpu.make_async_copy(
                obufs[ob], out_hbm.at[base], ssems[ob]
            ).wait()

        def pack_add(g, ob):
            buf = rows[g]
            obuf = obufs[ob]

            @plsc.parallel_loop(0, S, 1, unroll=8)
            def _(r):
                for k in range(D // L):
                    sl = pl.ds(k * L, L)
                    obuf[r, sl] = buf[r, sl] + pos_v[pl.ds(r * D + k * L, L)]

        issue_ids(0, 0)
        issue_ids(1, 1)
        wait_ids(0)
        issue_gather(0, 0)
        issue_ids(2, 2)

        @pl.loop(0, bpw, step=4)
        def _(c0):
            for b in range(4):
                ci = c0 + b
                j = b % 2

                @pl.when(ci + 1 < bpw)
                def _():
                    wait_ids((b + 1) % 4)
                    issue_gather(1 - j, (b + 1) % 4)

                wait_gather(j)

                @pl.when(ci + 3 < bpw)
                def _():
                    issue_ids(ci + 3, (b + 3) % 4)

                @pl.when(ci >= 2)
                def _():
                    wait_scatter(j)

                pack_add(j, j)
                issue_scatter(ci, j)

        for ob in range(2):
            wait_scatter(ob)

    return body(input_ids.reshape(-1), word2, pos_flat)

# --- scband reference (transcript-rebuilt; emitter-appended) ---
"""Pipeline reference for scband-embeddings-49838800503115 (READ-ONLY COPY).

The authoritative reference and input builder live on the scoring server;
editing this copy changes nothing except your own understanding.
"""

import jax, jax.numpy as jnp
import numpy as np

VOCAB = 1000000
MAX_SEQ = 2048
DIM = 64
B = 1024
S = 200

def setup_inputs(seed: int = 0) -> dict:
    key = jax.random.key(seed)
    k1, k2, k3 = jax.random.split(key, 3)
    input_ids = jax.random.randint(k1, (B, S), 0, VOCAB, dtype=jnp.int64 if jax.config.jax_enable_x64 else jnp.int32)
    word_embeddings = jax.random.normal(k2, (VOCAB, DIM), dtype=jnp.float32) * 0.02
    position_embeddings = jax.random.normal(k3, (MAX_SEQ, DIM), dtype=jnp.float32) * 0.02
    return {"input_ids": input_ids, "word_embeddings": word_embeddings, "position_embeddings": position_embeddings}

def reference(input_ids, word_embeddings, position_embeddings):
    batch_size, seq_len = input_ids.shape
    X_token = jnp.take(word_embeddings, input_ids, axis=0)
    position_ids = jnp.arange(seq_len, dtype=input_ids.dtype)[None, :]
    X_pos = jnp.take(position_embeddings, position_ids, axis=0)
    X = X_token + X_pos
    # dropout with p=0.0 is identity
    return X

if __name__ == "__main__":
    import jax
    _d = setup_inputs()
    print(jax.jit(kernel)(*tuple(_d.values())))

</pallas_src>

<mosaic_0001>
#map = affine_map<(d0, d1) -> (0)>
#map1 = affine_map<(d0, d1) -> (0, 0)>
#map2 = affine_map<(d0, d1) -> (0, 0, 0)>
module attributes {stable_mosaic.version = 14 : i64} {
  func.func @body(%arg0: i32, %arg1: i32, %arg2: memref<204800xi32, #tpu.memory_space<hbm>>, %arg3: memref<1000000x128xf32, #tpu.memory_space<hbm>>, %arg4: memref<131072xf32, #tpu.memory_space<hbm>>, %arg5: memref<1024x200x64xf32, #tpu.memory_space<hbm>>, %arg6: memref<224xi32, #tpu.memory_space<vmem>>, %arg7: memref<224xi32, #tpu.memory_space<vmem>>, %arg8: memref<224xi32, #tpu.memory_space<vmem>>, %arg9: memref<224xi32, #tpu.memory_space<vmem>>, %arg10: memref<200x128xf32, #tpu.memory_space<vmem>>, %arg11: memref<200x128xf32, #tpu.memory_space<vmem>>, %arg12: memref<200x64xf32, #tpu.memory_space<vmem>>, %arg13: memref<200x64xf32, #tpu.memory_space<vmem>>, %arg14: memref<12800xf32, #tpu.memory_space<vmem>>, %arg15: memref<!tpu.dma_semaphore, #tpu.memory_space<semaphore_mem>>, %arg16: memref<!tpu.dma_semaphore, #tpu.memory_space<semaphore_mem>>, %arg17: memref<!tpu.dma_semaphore, #tpu.memory_space<semaphore_mem>>, %arg18: memref<!tpu.dma_semaphore, #tpu.memory_space<semaphore_mem>>, %arg19: memref<!tpu.dma_semaphore, #tpu.memory_space<semaphore_mem>>, %arg20: memref<!tpu.dma_semaphore, #tpu.memory_space<semaphore_mem>>, %arg21: memref<!tpu.dma_semaphore, #tpu.memory_space<semaphore_mem>>, %arg22: memref<!tpu.dma_semaphore, #tpu.memory_space<semaphore_mem>>) attributes {dimension_semantics = [#tpu.dimension_semantics<core_parallel>, #tpu.dimension_semantics<subcore_parallel>], iteration_bounds = array<i64: 2, 16>, scalar_prefetch = 0 : i64, scratch_operands = 17 : i64, tpu.core_type = #tpu.core_type<sc_vector_subcore>, window_params = [{transform_indices = #map}, {transform_indices = #map1}, {transform_indices = #map}, {transform_indices = #map2}]} {
    %mul3A = arith.constant 2 : i32
    %mul3A_0 = arith.muli %arg1, %mul3A : i32
    %add3A = arith.addi %mul3A_0, %arg0 : i32
    %mul3A_1 = arith.constant 32 : i32
    %mul3A_2 = arith.muli %add3A, %mul3A_1 : i32
    "tpu.region"() ({
      %run_scoped3A = tpu.sem_alloc : memref<!tpu.dma_semaphore, #tpu.memory_space<semaphore_mem>>
      %dma_start3A_75 = arith.constant 0 : i32
      %dma_start3A_76 = tpu.memref_slice %arg4[%dma_start3A_75] : memref<131072xf32, #tpu.memory_space<hbm>> -> memref<12800xf32, #tpu.memory_space<hbm>>
      %dma_start3A_77 = arith.constant 0 : i32
      %dma_start3A_78 = tpu.memref_slice %arg4[%dma_start3A_77] : memref<131072xf32, #tpu.memory_space<hbm>> -> memref<12800xf32, #tpu.memory_space<hbm>>
      tpu.enqueue_dma source(%dma_start3A_78 : memref<12800xf32, #tpu.memory_space<hbm>>) target(%arg14 : memref<12800xf32, #tpu.memory_space<vmem>>) target_semaphore(%run_scoped3A : memref<!tpu.dma_semaphore, #tpu.memory_space<semaphore_mem>>)
      %dma_wait3A_79 = arith.constant 0 : i32
      %dma_wait3A_80 = tpu.memref_slice %arg4[%dma_wait3A_79] : memref<131072xf32, #tpu.memory_space<hbm>> -> memref<12800xf32, #tpu.memory_space<hbm>>
      %dma_wait3A_81 = arith.constant 0 : i32
      %dma_wait3A_82 = tpu.memref_slice %arg4[%dma_wait3A_81] : memref<131072xf32, #tpu.memory_space<hbm>> -> memref<12800xf32, #tpu.memory_space<hbm>>
      tpu.wait_dma2 semaphore(%run_scoped3A : memref<!tpu.dma_semaphore, #tpu.memory_space<semaphore_mem>>) src(%dma_wait3A_82 : memref<12800xf32, #tpu.memory_space<hbm>>) dst(%arg14 : memref<12800xf32, #tpu.memory_space<vmem>>)
      tpu.yield
    }) : () -> ()
    %add3A_3 = arith.constant 0 : i32
    %add3A_4 = arith.addi %mul3A_2, %add3A_3 : i32
    %mul3A_5 = arith.constant 200 : i32
    %mul3A_6 = arith.muli %add3A_4, %mul3A_5 : i32
    %dma_start3A = arith.constant 0 : i32
    %dma_start3A_7 = tpu.memref_slice %arg6[%dma_start3A] : memref<224xi32, #tpu.memory_space<vmem>> -> memref<200xi32, #tpu.memory_space<vmem>>
    %dma_start3A_8 = tpu.memref_slice %arg2[%mul3A_6] : memref<204800xi32, #tpu.memory_space<hbm>> -> memref<200xi32, #tpu.memory_space<hbm>>
    %dma_start3A_9 = arith.constant 0 : i32
    %dma_start3A_10 = tpu.memref_slice %arg6[%dma_start3A_9] : memref<224xi32, #tpu.memory_space<vmem>> -> memref<200xi32, #tpu.memory_space<vmem>>
    %dma_start3A_11 = tpu.memref_slice %arg2[%mul3A_6] : memref<204800xi32, #tpu.memory_space<hbm>> -> memref<200xi32, #tpu.memory_space<hbm>>
    tpu.enqueue_dma source(%dma_start3A_11 : memref<200xi32, #tpu.memory_space<hbm>>) target(%dma_start3A_10 : memref<200xi32, #tpu.memory_space<vmem>>) target_semaphore(%arg15 : memref<!tpu.dma_semaphore, #tpu.memory_space<semaphore_mem>>)
    %add3A_12 = arith.constant 1 : i32
    %add3A_13 = arith.addi %mul3A_2, %add3A_12 : i32
    %mul3A_14 = arith.constant 200 : i32
    %mul3A_15 = arith.muli %add3A_13, %mul3A_14 : i32
    %dma_start3A_16 = arith.constant 0 : i32
    %dma_start3A_17 = tpu.memref_slice %arg7[%dma_start3A_16] : memref<224xi32, #tpu.memory_space<vmem>> -> memref<200xi32, #tpu.memory_space<vmem>>
    %dma_start3A_18 = tpu.memref_slice %arg2[%mul3A_15] : memref<204800xi32, #tpu.memory_space<hbm>> -> memref<200xi32, #tpu.memory_space<hbm>>
    %dma_start3A_19 = arith.constant 0 : i32
    %dma_start3A_20 = tpu.memref_slice %arg7[%dma_start3A_19] : memref<224xi32, #tpu.memory_space<vmem>> -> memref<200xi32, #tpu.memory_space<vmem>>
    %dma_start3A_21 = tpu.memref_slice %arg2[%mul3A_15] : memref<204800xi32, #tpu.memory_space<hbm>> -> memref<200xi32, #tpu.memory_space<hbm>>
    tpu.enqueue_dma source(%dma_start3A_21 : memref<200xi32, #tpu.memory_space<hbm>>) target(%dma_start3A_20 : memref<200xi32, #tpu.memory_space<vmem>>) target_semaphore(%arg16 : memref<!tpu.dma_semaphore, #tpu.memory_space<semaphore_mem>>)
    %mul3A_22 = arith.constant 200 : i32
    %mul3A_23 = arith.muli %mul3A_2, %mul3A_22 : i32
    %dma_wait3A = arith.constant 0 : i32
    %dma_wait3A_24 = tpu.memref_slice %arg6[%dma_wait3A] : memref<224xi32, #tpu.memory_space<vmem>> -> memref<200xi32, #tpu.memory_space<vmem>>
    %dma_wait3A_25 = tpu.memref_slice %arg2[%mul3A_23] : memref<204800xi32, #tpu.memory_space<hbm>> -> memref<200xi32, #tpu.memory_space<hbm>>
    %dma_wait3A_26 = arith.constant 0 : i32
    %dma_wait3A_27 = tpu.memref_slice %arg6[%dma_wait3A_26] : memref<224xi32, #tpu.memory_space<vmem>> -> memref<200xi32, #tpu.memory_space<vmem>>
    %dma_wait3A_28 = tpu.memref_slice %arg2[%mul3A_23] : memref<204800xi32, #tpu.memory_space<hbm>> -> memref<200xi32, #tpu.memory_space<hbm>>
    tpu.wait_dma2 semaphore(%arg15 : memref<!tpu.dma_semaphore, #tpu.memory_space<semaphore_mem>>) src(%dma_wait3A_28 : memref<200xi32, #tpu.memory_space<hbm>>) dst(%dma_wait3A_27 : memref<200xi32, #tpu.memory_space<vmem>>)
    %dma_start3A_29 = arith.constant 0 : i32
    %dma_start3A_30 = arith.constant 0 : i32
    %dma_start3A_31 = tpu.memref_slice %arg10[%dma_start3A_29, %dma_start3A_30] : memref<200x128xf32, #tpu.memory_space<vmem>> -> memref<104x128xf32, #tpu.memory_space<vmem>>
    %dma_start3A_32 = arith.constant 0 : i32
    %dma_start3A_33 = tpu.memref_slice %arg6[%dma_start3A_32] : memref<224xi32, #tpu.memory_space<vmem>> -> memref<104xi32, #tpu.memory_space<vmem>>
    %dma_start3A_34 = arith.constant 0 : i32
    %dma_start3A_35 = arith.constant 0 : i32
    %dma_start3A_36 = tpu.memref_slice %arg3[%dma_start3A_34, %dma_start3A_35] : memref<1000000x128xf32, #tpu.memory_space<hbm>> -> memref<1000000x128xf32, #tpu.memory_space<hbm>>
    tpu.enqueue_indirect_dma source(%dma_start3A_36 : memref<1000000x128xf32, #tpu.memory_space<hbm>>) target(%dma_start3A_31 : memref<104x128xf32, #tpu.memory_space<vmem>>) offsets(%dma_start3A_33 : memref<104xi32, #tpu.memory_space<vmem>>) semaphore(%arg19 : memref<!tpu.dma_semaphore, #tpu.memory_space<semaphore_mem>>)
    %dma_start3A_37 = arith.constant 104 : i32
    %dma_start3A_38 = arith.constant 0 : i32
    %dma_start3A_39 = tpu.memref_slice %arg10[%dma_start3A_37, %dma_start3A_38] : memref<200x128xf32, #tpu.memory_space<vmem>> -> memref<96x128xf32, #tpu.memory_space<vmem>>
    %dma_start3A_40 = arith.constant 104 : i32
    %dma_start3A_41 = tpu.memref_slice %arg6[%dma_start3A_40] : memref<224xi32, #tpu.memory_space<vmem>> -> memref<96xi32, #tpu.memory_space<vmem>>
    %dma_start3A_42 = arith.constant 0 : i32
    %dma_start3A_43 = arith.constant 0 : i32
    %dma_start3A_44 = tpu.memref_slice %arg3[%dma_start3A_42, %dma_start3A_43] : memref<1000000x128xf32, #tpu.memory_space<hbm>> -> memref<1000000x128xf32, #tpu.memory_space<hbm>>
    tpu.enqueue_indirect_dma source(%dma_start3A_44 : memref<1000000x128xf32, #tpu.memory_space<hbm>>) target(%dma_start3A_39 : memref<96x128xf32, #tpu.memory_space<vmem>>) offsets(%dma_start3A_41 : memref<96xi32, #tpu.memory_space<vmem>>) semaphore(%arg19 : memref<!tpu.dma_semaphore, #tpu.memory_space<semaphore_mem>>)
    %add3A_45 = arith.constant 2 : i32
    %add3A_46 = arith.addi %mul3A_2, %add3A_45 : i32
    %mul3A_47 = arith.constant 200 : i32
    %mul3A_48 = arith.muli %add3A_46, %mul3A_47 : i32
    %dma_start3A_49 = arith.constant 0 : i32
    %dma_start3A_50 = tpu.memref_slice %arg8[%dma_start3A_49] : memref<224xi32, #tpu.memory_space<vmem>> -> memref<200xi32, #tpu.memory_space<vmem>>
    %dma_start3A_51 = tpu.memref_slice %arg2[%mul3A_48] : memref<204800xi32, #tpu.memory_space<hbm>> -> memref<200xi32, #tpu.memory_space<hbm>>
    %dma_start3A_52 = arith.constant 0 : i32
    %dma_start3A_53 = tpu.memref_slice %arg8[%dma_start3A_52] : memref<224xi32, #tpu.memory_space<vmem>> -> memref<200xi32, #tpu.memory_space<vmem>>
    %dma_start3A_54 = tpu.memref_slice %arg2[%mul3A_48] : memref<204800xi32, #tpu.memory_space<hbm>> -> memref<200xi32, #tpu.memory_space<hbm>>
    tpu.enqueue_dma source(%dma_start3A_54 : memref<200xi32, #tpu.memory_space<hbm>>) target(%dma_start3A_53 : memref<200xi32, #tpu.memory_space<vmem>>) target_semaphore(%arg17 : memref<!tpu.dma_semaphore, #tpu.memory_space<semaphore_mem>>)
    %scan3A = arith.constant 0 : i32
    %scan3A_55 = arith.constant 8 : i32
    %scan3A_56 = arith.addi %scan3A, %scan3A_55 : i32
    %scan3A_57 = arith.constant 1 : i32
    scf.for %scan3A_75 = %scan3A to %scan3A_56 step %scan3A_57  : i32 {
      %mul3A_76 = arith.constant 4 : i32
      %mul3A_77 = arith.muli %scan3A_75, %mul3A_76 : i32
      %add3A_78 = arith.constant 0 : i32
      %add3A_79 = arith.addi %add3A_78, %mul3A_77 : i32
      %add3A_80 = arith.constant 0 : i32
      %add3A_81 = arith.addi %add3A_79, %add3A_80 : i32
      %add3A_82 = arith.constant 1 : i32
      %add3A_83 = arith.addi %add3A_81, %add3A_82 : i32
      %lt3A = arith.constant 32 : i32
      %lt3A_84 = arith.cmpi slt, %add3A_83, %lt3A : i32
      %convert_element_type3A = arith.extui %lt3A_84 : i1 to i32
      %cond3A = arith.constant 0 : i32
      %cond3A_85 = arith.cmpi ne, %convert_element_type3A, %cond3A : i32
      scf.if %cond3A_85 {
        %mul3A_227 = arith.constant 200 : i32
        %mul3A_228 = arith.muli %mul3A_2, %mul3A_227 : i32
        %dma_wait3A_229 = arith.constant 0 : i32
        %dma_wait3A_230 = tpu.memref_slice %arg7[%dma_wait3A_229] : memref<224xi32, #tpu.memory_space<vmem>> -> memref<200xi32, #tpu.memory_space<vmem>>
        %dma_wait3A_231 = tpu.memref_slice %arg2[%mul3A_228] : memref<204800xi32, #tpu.memory_space<hbm>> -> memref<200xi32, #tpu.memory_space<hbm>>
        %dma_wait3A_232 = arith.constant 0 : i32
        %dma_wait3A_233 = tpu.memref_slice %arg7[%dma_wait3A_232] : memref<224xi32, #tpu.memory_space<vmem>> -> memref<200xi32, #tpu.memory_space<vmem>>
        %dma_wait3A_234 = tpu.memref_slice %arg2[%mul3A_228] : memref<204800xi32, #tpu.memory_space<hbm>> -> memref<200xi32, #tpu.memory_space<hbm>>
        tpu.wait_dma2 semaphore(%arg16 : memref<!tpu.dma_semaphore, #tpu.memory_space<semaphore_mem>>) src(%dma_wait3A_234 : memref<200xi32, #tpu.memory_space<hbm>>) dst(%dma_wait3A_233 : memref<200xi32, #tpu.memory_space<vmem>>)
        %dma_start3A_235 = arith.constant 0 : i32
        %dma_start3A_236 = arith.constant 0 : i32
        %dma_start3A_237 = tpu.memref_slice %arg11[%dma_start3A_235, %dma_start3A_236] : memref<200x128xf32, #tpu.memory_space<vmem>> -> memref<104x128xf32, #tpu.memory_space<vmem>>
        %dma_start3A_238 = arith.constant 0 : i32
        %dma_start3A_239 = tpu.memref_slice %arg7[%dma_start3A_238] : memref<224xi32, #tpu.memory_space<vmem>> -> memref<104xi32, #tpu.memory_space<vmem>>
        %dma_start3A_240 = arith.constant 0 : i32
        %dma_start3A_241 = arith.constant 0 : i32
        %dma_start3A_242 = tpu.memref_slice %arg3[%dma_start3A_240, %dma_start3A_241] : memref<1000000x128xf32, #tpu.memory_space<hbm>> -> memref<1000000x128xf32, #tpu.memory_space<hbm>>
        tpu.enqueue_indirect_dma source(%dma_start3A_242 : memref<1000000x128xf32, #tpu.memory_space<hbm>>) target(%dma_start3A_237 : memref<104x128xf32, #tpu.memory_space<vmem>>) offsets(%dma_start3A_239 : memref<104xi32, #tpu.memory_space<vmem>>) semaphore(%arg20 : memref<!tpu.dma_semaphore, #tpu.memory_space<semaphore_mem>>)
        %dma_start3A_243 = arith.constant 104 : i32
        %dma_start3A_244 = arith.constant 0 : i32
        %dma_start3A_245 = tpu.memref_slice %arg11[%dma_start3A_243, %dma_start3A_244] : memref<200x128xf32, #tpu.memory_space<vmem>> -> memref<96x128xf32, #tpu.memory_space<vmem>>
        %dma_start3A_246 = arith.constant 104 : i32
        %dma_start3A_247 = tpu.memref_slice %arg7[%dma_start3A_246] : memref<224xi32, #tpu.memory_space<vmem>> -> memref<96xi32, #tpu.memory_space<vmem>>
        %dma_start3A_248 = arith.constant 0 : i32
        %dma_start3A_249 = arith.constant 0 : i32
        %dma_start3A_250 = tpu.memref_slice %arg3[%dma_start3A_248, %dma_start3A_249] : memref<1000000x128xf32, #tpu.memory_space<hbm>> -> memref<1000000x128xf32, #tpu.memory_space<hbm>>
        tpu.enqueue_indirect_dma source(%dma_start3A_250 : memref<1000000x128xf32, #tpu.memory_space<hbm>>) target(%dma_start3A_245 : memref<96x128xf32, #tpu.memory_space<vmem>>) offsets(%dma_start3A_247 : memref<96xi32, #tpu.memory_space<vmem>>) semaphore(%arg20 : memref<!tpu.dma_semaphore, #tpu.memory_space<semaphore_mem>>)
      } else {
      }
      %dma_wait3A_86 = arith.constant 0 : i32
      %dma_wait3A_87 = tpu.memref_slice %arg6[%dma_wait3A_86] : memref<224xi32, #tpu.memory_space<vmem>> -> memref<200xi32, #tpu.memory_space<vmem>>
      %dma_wait3A_88 = arith.constant 0 : i32
      %dma_wait3A_89 = arith.constant 0 : i32
      %dma_wait3A_90 = tpu.memref_slice %arg3[%dma_wait3A_88, %dma_wait3A_89] : memref<1000000x128xf32, #tpu.memory_space<hbm>> -> memref<1000000x128xf32, #tpu.memory_space<hbm>>
      tpu.wait_indirect_dma semaphore(%arg19 : memref<!tpu.dma_semaphore, #tpu.memory_space<semaphore_mem>>) src(%dma_wait3A_90 : memref<1000000x128xf32, #tpu.memory_space<hbm>>) dst(%arg10 : memref<200x128xf32, #tpu.memory_space<vmem>>)
      %add3A_91 = arith.constant 3 : i32
      %add3A_92 = arith.addi %add3A_81, %add3A_91 : i32
      %lt3A_93 = arith.constant 32 : i32
      %lt3A_94 = arith.cmpi slt, %add3A_92, %lt3A_93 : i32
      %convert_element_type3A_95 = arith.extui %lt3A_94 : i1 to i32
      %cond3A_96 = arith.constant 0 : i32
      %cond3A_97 = arith.cmpi ne, %convert_element_type3A_95, %cond3A_96 : i32
      scf.if %cond3A_97 {
        %add3A_227 = arith.constant 3 : i32
        %add3A_228 = arith.addi %add3A_81, %add3A_227 : i32
        %add3A_229 = arith.addi %mul3A_2, %add3A_228 : i32
        %mul3A_230 = arith.constant 200 : i32
        %mul3A_231 = arith.muli %add3A_229, %mul3A_230 : i32
        %dma_start3A_232 = arith.constant 0 : i32
        %dma_start3A_233 = tpu.memref_slice %arg9[%dma_start3A_232] : memref<224xi32, #tpu.memory_space<vmem>> -> memref<200xi32, #tpu.memory_space<vmem>>
        %dma_start3A_234 = tpu.memref_slice %arg2[%mul3A_231] : memref<204800xi32, #tpu.memory_space<hbm>> -> memref<200xi32, #tpu.memory_space<hbm>>
        %dma_start3A_235 = arith.constant 0 : i32
        %dma_start3A_236 = tpu.memref_slice %arg9[%dma_start3A_235] : memref<224xi32, #tpu.memory_space<vmem>> -> memref<200xi32, #tpu.memory_space<vmem>>
        %dma_start3A_237 = tpu.memref_slice %arg2[%mul3A_231] : memref<204800xi32, #tpu.memory_space<hbm>> -> memref<200xi32, #tpu.memory_space<hbm>>
        tpu.enqueue_dma source(%dma_start3A_237 : memref<200xi32, #tpu.memory_space<hbm>>) target(%dma_start3A_236 : memref<200xi32, #tpu.memory_space<vmem>>) target_semaphore(%arg18 : memref<!tpu.dma_semaphore, #tpu.memory_space<semaphore_mem>>)
      } else {
      }
      %ge3A = arith.constant 2 : i32
      %ge3A_98 = arith.cmpi sge, %add3A_81, %ge3A : i32
      %convert_element_type3A_99 = arith.extui %ge3A_98 : i1 to i32
      %cond3A_100 = arith.constant 0 : i32
      %cond3A_101 = arith.cmpi ne, %convert_element_type3A_99, %cond3A_100 : i32
      scf.if %cond3A_101 {
        %dma_wait3A_227 = arith.constant 0 : i32
        %dma_wait3A_228 = arith.constant 0 : i32
        %dma_wait3A_229 = tpu.memref_slice %arg5[%mul3A_2, %dma_wait3A_227, %dma_wait3A_228] : memref<1024x200x64xf32, #tpu.memory_space<hbm>> -> memref<1x200x64xf32, #tpu.memory_space<hbm>>
        %dma_wait3A_230 = tpu.memref_squeeze %dma_wait3A_229 : memref<1x200x64xf32, #tpu.memory_space<hbm>> -> memref<200x64xf32, #tpu.memory_space<hbm>>
        %dma_wait3A_231 = arith.constant 0 : i32
        %dma_wait3A_232 = arith.constant 0 : i32
        %dma_wait3A_233 = tpu.memref_slice %arg5[%mul3A_2, %dma_wait3A_231, %dma_wait3A_232] : memref<1024x200x64xf32, #tpu.memory_space<hbm>> -> memref<1x200x64xf32, #tpu.memory_space<hbm>>
        %dma_wait3A_234 = tpu.memref_squeeze %dma_wait3A_233 : memref<1x200x64xf32, #tpu.memory_space<hbm>> -> memref<200x64xf32, #tpu.memory_space<hbm>>
        tpu.wait_dma2 semaphore(%arg21 : memref<!tpu.dma_semaphore, #tpu.memory_space<semaphore_mem>>) src(%arg12 : memref<200x64xf32, #tpu.memory_space<vmem>>) dst(%dma_wait3A_234 : memref<200x64xf32, #tpu.memory_space<hbm>>)
      } else {
      }
      %parallel_loop3A = arith.constant 0 : i32
      %parallel_loop3A_102 = arith.constant 200 : i32
      %parallel_loop3A_103 = arith.constant 1 : i32
      scf.for %parallel_loop3A_227 = %parallel_loop3A to %parallel_loop3A_102 step %parallel_loop3A_103  : i32 {
        %parallel_loop3A_228 = arith.index_cast %parallel_loop3A_227 : i32 to index
        %parallel_loop3A_229 = arith.constant 0 : index
        %parallel_loop3A_230 = tpu.vector_load %arg10[%parallel_loop3A_228, %parallel_loop3A_229] {strides = array<i32>} : memref<200x128xf32, #tpu.memory_space<vmem>>, vector<1x16xf32>,
        %parallel_loop3A_231 = vector.shape_cast %parallel_loop3A_230 : vector<1x16xf32> to vector<16xf32>
        %parallel_loop3A_232 = arith.constant 64 : i32
        %parallel_loop3A_233 = arith.muli %parallel_loop3A_227, %parallel_loop3A_232 : i32
        %parallel_loop3A_234 = arith.constant 0 : i32
        %parallel_loop3A_235 = arith.addi %parallel_loop3A_233, %parallel_loop3A_234 : i32
        %parallel_loop3A_236 = arith.index_cast %parallel_loop3A_235 : i32 to index
        %parallel_loop3A_237 = tpu.vector_load %arg14[%parallel_loop3A_236] {strides = array<i32>} : memref<12800xf32, #tpu.memory_space<vmem>>, vector<16xf32>,
        %parallel_loop3A_238 = vector.shape_cast %parallel_loop3A_237 : vector<16xf32> to vector<16xf32>
        %parallel_loop3A_239 = arith.addf %parallel_loop3A_231, %parallel_loop3A_238 : vector<16xf32>
        %parallel_loop3A_240 = arith.index_cast %parallel_loop3A_227 : i32 to index
        %parallel_loop3A_241 = arith.constant 0 : index
        %parallel_loop3A_242 = tpu.vector_load %arg12[%parallel_loop3A_240, %parallel_loop3A_241] {strides = array<i32>} : memref<200x64xf32, #tpu.memory_space<vmem>>, vector<1x16xf32>,
        %parallel_loop3A_243 = vector.shape_cast %parallel_loop3A_242 : vector<1x16xf32> to vector<16xf32>
        %parallel_loop3A_244 = vector.shape_cast %parallel_loop3A_239 : vector<16xf32> to vector<1x16xf32>
        tpu.vector_store %arg12[%parallel_loop3A_240, %parallel_loop3A_241], %parallel_loop3A_244 {strides = array<i32>} : memref<200x64xf32, #tpu.memory_space<vmem>>, vector<1x16xf32>,
        %parallel_loop3A_245 = arith.index_cast %parallel_loop3A_227 : i32 to index
        %parallel_loop3A_246 = arith.constant 16 : index
        %parallel_loop3A_247 = tpu.vector_load %arg10[%parallel_loop3A_245, %parallel_loop3A_246] {strides = array<i32>} : memref<200x128xf32, #tpu.memory_space<vmem>>, vector<1x16xf32>,
        %parallel_loop3A_248 = vector.shape_cast %parallel_loop3A_247 : vector<1x16xf32> to vector<16xf32>
        %parallel_loop3A_249 = arith.constant 64 : i32
        %parallel_loop3A_250 = arith.muli %parallel_loop3A_227, %parallel_loop3A_249 : i32
        %parallel_loop3A_251 = arith.constant 16 : i32
        %parallel_loop3A_252 = arith.addi %parallel_loop3A_250, %parallel_loop3A_251 : i32
        %parallel_loop3A_253 = arith.index_cast %parallel_loop3A_252 : i32 to index
        %parallel_loop3A_254 = tpu.vector_load %arg14[%parallel_loop3A_253] {strides = array<i32>} : memref<12800xf32, #tpu.memory_space<vmem>>, vector<16xf32>,
        %parallel_loop3A_255 = vector.shape_cast %parallel_loop3A_254 : vector<16xf32> to vector<16xf32>
        %parallel_loop3A_256 = arith.addf %parallel_loop3A_248, %parallel_loop3A_255 : vector<16xf32>
        %parallel_loop3A_257 = arith.index_cast %parallel_loop3A_227 : i32 to index
        %parallel_loop3A_258 = arith.constant 16 : index
        %parallel_loop3A_259 = tpu.vector_load %arg12[%parallel_loop3A_257, %parallel_loop3A_258] {strides = array<i32>} : memref<200x64xf32, #tpu.memory_space<vmem>>, vector<1x16xf32>,
        %parallel_loop3A_260 = vector.shape_cast %parallel_loop3A_259 : vector<1x16xf32> to vector<16xf32>
        %parallel_loop3A_261 = vector.shape_cast %parallel_loop3A_256 : vector<16xf32> to vector<1x16xf32>
        tpu.vector_store %arg12[%parallel_loop3A_257, %parallel_loop3A_258], %parallel_loop3A_261 {strides = array<i32>} : memref<200x64xf32, #tpu.memory_space<vmem>>, vector<1x16xf32>,
        %parallel_loop3A_262 = arith.index_cast %parallel_loop3A_227 : i32 to index
        %parallel_loop3A_263 = arith.constant 32 : index
        %parallel_loop3A_264 = tpu.vector_load %arg10[%parallel_loop3A_262, %parallel_loop3A_263] {strides = array<i32>} : memref<200x128xf32, #tpu.memory_space<vmem>>, vector<1x16xf32>,
        %parallel_loop3A_265 = vector.shape_cast %parallel_loop3A_264 : vector<1x16xf32> to vector<16xf32>
        %parallel_loop3A_266 = arith.constant 64 : i32
        %parallel_loop3A_267 = arith.muli %parallel_loop3A_227, %parallel_loop3A_266 : i32
        %parallel_loop3A_268 = arith.constant 32 : i32
        %parallel_loop3A_269 = arith.addi %parallel_loop3A_267, %parallel_loop3A_268 : i32
        %parallel_loop3A_270 = arith.index_cast %parallel_loop3A_269 : i32 to index
        %parallel_loop3A_271 = tpu.vector_load %arg14[%parallel_loop3A_270] {strides = array<i32>} : memref<12800xf32, #tpu.memory_space<vmem>>, vector<16xf32>,
        %parallel_loop3A_272 = vector.shape_cast %parallel_loop3A_271 : vector<16xf32> to vector<16xf32>
        %parallel_loop3A_273 = arith.addf %parallel_loop3A_265, %parallel_loop3A_272 : vector<16xf32>
        %parallel_loop3A_274 = arith.index_cast %parallel_loop3A_227 : i32 to index
        %parallel_loop3A_275 = arith.constant 32 : index
        %parallel_loop3A_276 = tpu.vector_load %arg12[%parallel_loop3A_274, %parallel_loop3A_275] {strides = array<i32>} : memref<200x64xf32, #tpu.memory_space<vmem>>, vector<1x16xf32>,
        %parallel_loop3A_277 = vector.shape_cast %parallel_loop3A_276 : vector<1x16xf32> to vector<16xf32>
        %parallel_loop3A_278 = vector.shape_cast %parallel_loop3A_273 : vector<16xf32> to vector<1x16xf32>
        tpu.vector_store %arg12[%parallel_loop3A_274, %parallel_loop3A_275], %parallel_loop3A_278 {strides = array<i32>} : memref<200x64xf32, #tpu.memory_space<vmem>>, vector<1x16xf32>,
        %parallel_loop3A_279 = arith.index_cast %parallel_loop3A_227 : i32 to index
        %parallel_loop3A_280 = arith.constant 48 : index
        %parallel_loop3A_281 = tpu.vector_load %arg10[%parallel_loop3A_279, %parallel_loop3A_280] {strides = array<i32>} : memref<200x128xf32, #tpu.memory_space<vmem>>, vector<1x16xf32>,
        %parallel_loop3A_282 = vector.shape_cast %parallel_loop3A_281 : vector<1x16xf32> to vector<16xf32>
        %parallel_loop3A_283 = arith.constant 64 : i32
        %parallel_loop3A_284 = arith.muli %parallel_loop3A_227, %parallel_loop3A_283 : i32
        %parallel_loop3A_285 = arith.constant 48 : i32
        %parallel_loop3A_286 = arith.addi %parallel_loop3A_284, %parallel_loop3A_285 : i32
        %parallel_loop3A_287 = arith.index_cast %parallel_loop3A_286 : i32 to index
        %parallel_loop3A_288 = tpu.vector_load %arg14[%parallel_loop3A_287] {strides = array<i32>} : memref<12800xf32, #tpu.memory_space<vmem>>, vector<16xf32>,
        %parallel_loop3A_289 = vector.shape_cast %parallel_loop3A_288 : vector<16xf32> to vector<16xf32>
        %parallel_loop3A_290 = arith.addf %parallel_loop3A_282, %parallel_loop3A_289 : vector<16xf32>
        %parallel_loop3A_291 = arith.index_cast %parallel_loop3A_227 : i32 to index
        %parallel_loop3A_292 = arith.constant 48 : index
        %parallel_loop3A_293 = tpu.vector_load %arg12[%parallel_loop3A_291, %parallel_loop3A_292] {strides = array<i32>} : memref<200x64xf32, #tpu.memory_space<vmem>>, vector<1x16xf32>,
        %parallel_loop3A_294 = vector.shape_cast %parallel_loop3A_293 : vector<1x16xf32> to vector<16xf32>
        %parallel_loop3A_295 = vector.shape_cast %parallel_loop3A_290 : vector<16xf32> to vector<1x16xf32>
        tpu.vector_store %arg12[%parallel_loop3A_291, %parallel_loop3A_292], %parallel_loop3A_295 {strides = array<i32>} : memref<200x64xf32, #tpu.memory_space<vmem>>, vector<1x16xf32>,
      } {sc.loop_unroll_factor = 8 : i64, sc.parallel_access}
      %add3A_104 = arith.addi %mul3A_2, %add3A_81 : i32
      %dma_start3A_105 = arith.constant 0 : i32
      %dma_start3A_106 = arith.constant 0 : i32
      %dma_start3A_107 = tpu.memref_slice %arg5[%add3A_104, %dma_start3A_105, %dma_start3A_106] : memref<1024x200x64xf32, #tpu.memory_space<hbm>> -> memref<1x200x64xf32, #tpu.memory_space<hbm>>
      %dma_start3A_108 = tpu.memref_squeeze %dma_start3A_107 : memref<1x200x64xf32, #tpu.memory_space<hbm>> -> memref<200x64xf32, #tpu.memory_space<hbm>>
      %dma_start3A_109 = arith.constant 0 : i32
      %dma_start3A_110 = arith.constant 0 : i32
      %dma_start3A_111 = tpu.memref_slice %arg5[%add3A_104, %dma_start3A_109, %dma_start3A_110] : memref<1024x200x64xf32, #tpu.memory_space<hbm>> -> memref<1x200x64xf32, #tpu.memory_space<hbm>>
      %dma_start3A_112 = tpu.memref_squeeze %dma_start3A_111 : memref<1x200x64xf32, #tpu.memory_space<hbm>> -> memref<200x64xf32, #tpu.memory_space<hbm>>
      tpu.enqueue_dma source(%arg12 : memref<200x64xf32, #tpu.memory_space<vmem>>) target(%dma_start3A_112 : memref<200x64xf32, #tpu.memory_space<hbm>>) target_semaphore(%arg21 : memref<!tpu.dma_semaphore, #tpu.memory_space<semaphore_mem>>)
      %add3A_113 = arith.constant 1 : i32
      %add3A_114 = arith.addi %add3A_79, %add3A_113 : i32
      %add3A_115 = arith.constant 1 : i32
      %add3A_116 = arith.addi %add3A_114, %add3A_115 : i32
      %lt3A_117 = arith.constant 32 : i32
      %lt3A_118 = arith.cmpi slt, %add3A_116, %lt3A_117 : i32
      %convert_element_type3A_119 = arith.extui %lt3A_118 : i1 to i32
      %cond3A_120 = arith.constant 0 : i32
      %cond3A_121 = arith.cmpi ne, %convert_element_type3A_119, %cond3A_120 : i32
      scf.if %cond3A_121 {
        %mul3A_227 = arith.constant 200 : i32
        %mul3A_228 = arith.muli %mul3A_2, %mul3A_227 : i32
        %dma_wait3A_229 = arith.constant 0 : i32
        %dma_wait3A_230 = tpu.memref_slice %arg8[%dma_wait3A_229] : memref<224xi32, #tpu.memory_space<vmem>> -> memref<200xi32, #tpu.memory_space<vmem>>
        %dma_wait3A_231 = tpu.memref_slice %arg2[%mul3A_228] : memref<204800xi32, #tpu.memory_space<hbm>> -> memref<200xi32, #tpu.memory_space<hbm>>
        %dma_wait3A_232 = arith.constant 0 : i32
        %dma_wait3A_233 = tpu.memref_slice %arg8[%dma_wait3A_232] : memref<224xi32, #tpu.memory_space<vmem>> -> memref<200xi32, #tpu.memory_space<vmem>>
        %dma_wait3A_234 = tpu.memref_slice %arg2[%mul3A_228] : memref<204800xi32, #tpu.memory_space<hbm>> -> memref<200xi32, #tpu.memory_space<hbm>>
        tpu.wait_dma2 semaphore(%arg17 : memref<!tpu.dma_semaphore, #tpu.memory_space<semaphore_mem>>) src(%dma_wait3A_234 : memref<200xi32, #tpu.memory_space<hbm>>) dst(%dma_wait3A_233 : memref<200xi32, #tpu.memory_space<vmem>>)
        %dma_start3A_235 = arith.constant 0 : i32
        %dma_start3A_236 = arith.constant 0 : i32
        %dma_start3A_237 = tpu.memref_slice %arg10[%dma_start3A_235, %dma_start3A_236] : memref<200x128xf32, #tpu.memory_space<vmem>> -> memref<104x128xf32, #tpu.memory_space<vmem>>
        %dma_start3A_238 = arith.constant 0 : i32
        %dma_start3A_239 = tpu.memref_slice %arg8[%dma_start3A_238] : memref<224xi32, #tpu.memory_space<vmem>> -> memref<104xi32, #tpu.memory_space<vmem>>
        %dma_start3A_240 = arith.constant 0 : i32
        %dma_start3A_241 = arith.constant 0 : i32
        %dma_start3A_242 = tpu.memref_slice %arg3[%dma_start3A_240, %dma_start3A_241] : memref<1000000x128xf32, #tpu.memory_space<hbm>> -> memref<1000000x128xf32, #tpu.memory_space<hbm>>
        tpu.enqueue_indirect_dma source(%dma_start3A_242 : memref<1000000x128xf32, #tpu.memory_space<hbm>>) target(%dma_start3A_237 : memref<104x128xf32, #tpu.memory_space<vmem>>) offsets(%dma_start3A_239 : memref<104xi32, #tpu.memory_space<vmem>>) semaphore(%arg19 : memref<!tpu.dma_semaphore, #tpu.memory_space<semaphore_mem>>)
        %dma_start3A_243 = arith.constant 104 : i32
        %dma_start3A_244 = arith.constant 0 : i32
        %dma_start3A_245 = tpu.memref_slice %arg10[%dma_start3A_243, %dma_start3A_244] : memref<200x128xf32, #tpu.memory_space<vmem>> -> memref<96x128xf32, #tpu.memory_space<vmem>>
        %dma_start3A_246 = arith.constant 104 : i32
        %dma_start3A_247 = tpu.memref_slice %arg8[%dma_start3A_246] : memref<224xi32, #tpu.memory_space<vmem>> -> memref<96xi32, #tpu.memory_space<vmem>>
        %dma_start3A_248 = arith.constant 0 : i32
        %dma_start3A_249 = arith.constant 0 : i32
        %dma_start3A_250 = tpu.memref_slice %arg3[%dma_start3A_248, %dma_start3A_249] : memref<1000000x128xf32, #tpu.memory_space<hbm>> -> memref<1000000x128xf32, #tpu.memory_space<hbm>>
        tpu.enqueue_indirect_dma source(%dma_start3A_250 : memref<1000000x128xf32, #tpu.memory_space<hbm>>) target(%dma_start3A_245 : memref<96x128xf32, #tpu.memory_space<vmem>>) offsets(%dma_start3A_247 : memref<96xi32, #tpu.memory_space<vmem>>) semaphore(%arg19 : memref<!tpu.dma_semaphore, #tpu.memory_space<semaphore_mem>>)
      } else {
      }
      %dma_wait3A_122 = arith.constant 0 : i32
      %dma_wait3A_123 = tpu.memref_slice %arg6[%dma_wait3A_122] : memref<224xi32, #tpu.memory_space<vmem>> -> memref<200xi32, #tpu.memory_space<vmem>>
      %dma_wait3A_124 = arith.constant 0 : i32
      %dma_wait3A_125 = arith.constant 0 : i32
      %dma_wait3A_126 = tpu.memref_slice %arg3[%dma_wait3A_124, %dma_wait3A_125] : memref<1000000x128xf32, #tpu.memory_space<hbm>> -> memref<1000000x128xf32, #tpu.memory_space<hbm>>
      tpu.wait_indirect_dma semaphore(%arg20 : memref<!tpu.dma_semaphore, #tpu.memory_space<semaphore_mem>>) src(%dma_wait3A_126 : memref<1000000x128xf32, #tpu.memory_space<hbm>>) dst(%arg11 : memref<200x128xf32, #tpu.memory_space<vmem>>)
      %add3A_127 = arith.constant 3 : i32
      %add3A_128 = arith.addi %add3A_114, %add3A_127 : i32
      %lt3A_129 = arith.constant 32 : i32
      %lt3A_130 = arith.cmpi slt, %add3A_128, %lt3A_129 : i32
      %convert_element_type3A_131 = arith.extui %lt3A_130 : i1 to i32
      %cond3A_132 = arith.constant 0 : i32
      %cond3A_133 = arith.cmpi ne, %convert_element_type3A_131, %cond3A_132 : i32
      scf.if %cond3A_133 {
        %add3A_227 = arith.constant 3 : i32
        %add3A_228 = arith.addi %add3A_114, %add3A_227 : i32
        %add3A_229 = arith.addi %mul3A_2, %add3A_228 : i32
        %mul3A_230 = arith.constant 200 : i32
        %mul3A_231 = arith.muli %add3A_229, %mul3A_230 : i32
        %dma_start3A_232 = arith.constant 0 : i32
        %dma_start3A_233 = tpu.memref_slice %arg6[%dma_start3A_232] : memref<224xi32, #tpu.memory_space<vmem>> -> memref<200xi32, #tpu.memory_space<vmem>>
        %dma_start3A_234 = tpu.memref_slice %arg2[%mul3A_231] : memref<204800xi32, #tpu.memory_space<hbm>> -> memref<200xi32, #tpu.memory_space<hbm>>
        %dma_start3A_235 = arith.constant 0 : i32
        %dma_start3A_236 = tpu.memref_slice %arg6[%dma_start3A_235] : memref<224xi32, #tpu.memory_space<vmem>> -> memref<200xi32, #tpu.memory_space<vmem>>
        %dma_start3A_237 = tpu.memref_slice %arg2[%mul3A_231] : memref<204800xi32, #tpu.memory_space<hbm>> -> memref<200xi32, #tpu.memory_space<hbm>>
        tpu.enqueue_dma source(%dma_start3A_237 : memref<200xi32, #tpu.memory_space<hbm>>) target(%dma_start3A_236 : memref<200xi32, #tpu.memory_space<vmem>>) target_semaphore(%arg15 : memref<!tpu.dma_semaphore, #tpu.memory_space<semaphore_mem>>)
      } else {
      }
      %ge3A_134 = arith.constant 2 : i32
      %ge3A_135 = arith.cmpi sge, %add3A_114, %ge3A_134 : i32
      %convert_element_type3A_136 = arith.extui %ge3A_135 : i1 to i32
      %cond3A_137 = arith.constant 0 : i32
      %cond3A_138 = arith.cmpi ne, %convert_element_type3A_136, %cond3A_137 : i32
      scf.if %cond3A_138 {
        %dma_wait3A_227 = arith.constant 0 : i32
        %dma_wait3A_228 = arith.constant 0 : i32
        %dma_wait3A_229 = tpu.memref_slice %arg5[%mul3A_2, %dma_wait3A_227, %dma_wait3A_228] : memref<1024x200x64xf32, #tpu.memory_space<hbm>> -> memref<1x200x64xf32, #tpu.memory_space<hbm>>
        %dma_wait3A_230 = tpu.memref_squeeze %dma_wait3A_229 : memref<1x200x64xf32, #tpu.memory_space<hbm>> -> memref<200x64xf32, #tpu.memory_space<hbm>>
        %dma_wait3A_231 = arith.constant 0 : i32
        %dma_wait3A_232 = arith.constant 0 : i32
        %dma_wait3A_233 = tpu.memref_slice %arg5[%mul3A_2, %dma_wait3A_231, %dma_wait3A_232] : memref<1024x200x64xf32, #tpu.memory_space<hbm>> -> memref<1x200x64xf32, #tpu.memory_space<hbm>>
        %dma_wait3A_234 = tpu.memref_squeeze %dma_wait3A_233 : memref<1x200x64xf32, #tpu.memory_space<hbm>> -> memref<200x64xf32, #tpu.memory_space<hbm>>
        tpu.wait_dma2 semaphore(%arg22 : memref<!tpu.dma_semaphore, #tpu.memory_space<semaphore_mem>>) src(%arg13 : memref<200x64xf32, #tpu.memory_space<vmem>>) dst(%dma_wait3A_234 : memref<200x64xf32, #tpu.memory_space<hbm>>)
      } else {
      }
      %parallel_loop3A_139 = arith.constant 0 : i32
      %parallel_loop3A_140 = arith.constant 200 : i32
      %parallel_loop3A_141 = arith.constant 1 : i32
      scf.for %parallel_loop3A_227 = %parallel_loop3A_139 to %parallel_loop3A_140 step %parallel_loop3A_141  : i32 {
        %parallel_loop3A_228 = arith.index_cast %parallel_loop3A_227 : i32 to index
        %parallel_loop3A_229 = arith.constant 0 : index
        %parallel_loop3A_230 = tpu.vector_load %arg11[%parallel_loop3A_228, %parallel_loop3A_229] {strides = array<i32>} : memref<200x128xf32, #tpu.memory_space<vmem>>, vector<1x16xf32>,
        %parallel_loop3A_231 = vector.shape_cast %parallel_loop3A_230 : vector<1x16xf32> to vector<16xf32>
        %parallel_loop3A_232 = arith.constant 64 : i32
        %parallel_loop3A_233 = arith.muli %parallel_loop3A_227, %parallel_loop3A_232 : i32
        %parallel_loop3A_234 = arith.constant 0 : i32
        %parallel_loop3A_235 = arith.addi %parallel_loop3A_233, %parallel_loop3A_234 : i32
        %parallel_loop3A_236 = arith.index_cast %parallel_loop3A_235 : i32 to index
        %parallel_loop3A_237 = tpu.vector_load %arg14[%parallel_loop3A_236] {strides = array<i32>} : memref<12800xf32, #tpu.memory_space<vmem>>, vector<16xf32>,
        %parallel_loop3A_238 = vector.shape_cast %parallel_loop3A_237 : vector<16xf32> to vector<16xf32>
        %parallel_loop3A_239 = arith.addf %parallel_loop3A_231, %parallel_loop3A_238 : vector<16xf32>
        %parallel_loop3A_240 = arith.index_cast %parallel_loop3A_227 : i32 to index
        %parallel_loop3A_241 = arith.constant 0 : index
        %parallel_loop3A_242 = tpu.vector_load %arg13[%parallel_loop3A_240, %parallel_loop3A_241] {strides = array<i32>} : memref<200x64xf32, #tpu.memory_space<vmem>>, vector<1x16xf32>,
        %parallel_loop3A_243 = vector.shape_cast %parallel_loop3A_242 : vector<1x16xf32> to vector<16xf32>
        %parallel_loop3A_244 = vector.shape_cast %parallel_loop3A_239 : vector<16xf32> to vector<1x16xf32>
        tpu.vector_store %arg13[%parallel_loop3A_240, %parallel_loop3A_241], %parallel_loop3A_244 {strides = array<i32>} : memref<200x64xf32, #tpu.memory_space<vmem>>, vector<1x16xf32>,
        %parallel_loop3A_245 = arith.index_cast %parallel_loop3A_227 : i32 to index
        %parallel_loop3A_246 = arith.constant 16 : index
        %parallel_loop3A_247 = tpu.vector_load %arg11[%parallel_loop3A_245, %parallel_loop3A_246] {strides = array<i32>} : memref<200x128xf32, #tpu.memory_space<vmem>>, vector<1x16xf32>,
        %parallel_loop3A_248 = vector.shape_cast %parallel_loop3A_247 : vector<1x16xf32> to vector<16xf32>
        %parallel_loop3A_249 = arith.constant 64 : i32
        %parallel_loop3A_250 = arith.muli %parallel_loop3A_227, %parallel_loop3A_249 : i32
        %parallel_loop3A_251 = arith.constant 16 : i32
        %parallel_loop3A_252 = arith.addi %parallel_loop3A_250, %parallel_loop3A_251 : i32
        %parallel_loop3A_253 = arith.index_cast %parallel_loop3A_252 : i32 to index
        %parallel_loop3A_254 = tpu.vector_load %arg14[%parallel_loop3A_253] {strides = array<i32>} : memref<12800xf32, #tpu.memory_space<vmem>>, vector<16xf32>,
        %parallel_loop3A_255 = vector.shape_cast %parallel_loop3A_254 : vector<16xf32> to vector<16xf32>
        %parallel_loop3A_256 = arith.addf %parallel_loop3A_248, %parallel_loop3A_255 : vector<16xf32>
        %parallel_loop3A_257 = arith.index_cast %parallel_loop3A_227 : i32 to index
        %parallel_loop3A_258 = arith.constant 16 : index
        %parallel_loop3A_259 = tpu.vector_load %arg13[%parallel_loop3A_257, %parallel_loop3A_258] {strides = array<i32>} : memref<200x64xf32, #tpu.memory_space<vmem>>, vector<1x16xf32>,
        %parallel_loop3A_260 = vector.shape_cast %parallel_loop3A_259 : vector<1x16xf32> to vector<16xf32>
        %parallel_loop3A_261 = vector.shape_cast %parallel_loop3A_256 : vector<16xf32> to vector<1x16xf32>
        tpu.vector_store %arg13[%parallel_loop3A_257, %parallel_loop3A_258], %parallel_loop3A_261 {strides = array<i32>} : memref<200x64xf32, #tpu.memory_space<vmem>>, vector<1x16xf32>,
        %parallel_loop3A_262 = arith.index_cast %parallel_loop3A_227 : i32 to index
        %parallel_loop3A_263 = arith.constant 32 : index
        %parallel_loop3A_264 = tpu.vector_load %arg11[%parallel_loop3A_262, %parallel_loop3A_263] {strides = array<i32>} : memref<200x128xf32, #tpu.memory_space<vmem>>, vector<1x16xf32>,
        %parallel_loop3A_265 = vector.shape_cast %parallel_loop3A_264 : vector<1x16xf32> to vector<16xf32>
        %parallel_loop3A_266 = arith.constant 64 : i32
        %parallel_loop3A_267 = arith.muli %parallel_loop3A_227, %parallel_loop3A_266 : i32
        %parallel_loop3A_268 = arith.constant 32 : i32
        %parallel_loop3A_269 = arith.addi %parallel_loop3A_267, %parallel_loop3A_268 : i32
        %parallel_loop3A_270 = arith.index_cast %parallel_loop3A_269 : i32 to index
        %parallel_loop3A_271 = tpu.vector_load %arg14[%parallel_loop3A_270] {strides = array<i32>} : memref<12800xf32, #tpu.memory_space<vmem>>, vector<16xf32>,
        %parallel_loop3A_272 = vector.shape_cast %parallel_loop3A_271 : vector<16xf32> to vector<16xf32>
        %parallel_loop3A_273 = arith.addf %parallel_loop3A_265, %parallel_loop3A_272 : vector<16xf32>
        %parallel_loop3A_274 = arith.index_cast %parallel_loop3A_227 : i32 to index
        %parallel_loop3A_275 = arith.constant 32 : index
        %parallel_loop3A_276 = tpu.vector_load %arg13[%parallel_loop3A_274, %parallel_loop3A_275] {strides = array<i32>} : memref<200x64xf32, #tpu.memory_space<vmem>>, vector<1x16xf32>,
        %parallel_loop3A_277 = vector.shape_cast %parallel_loop3A_276 : vector<1x16xf32> to vector<16xf32>
        %parallel_loop3A_278 = vector.shape_cast %parallel_loop3A_273 : vector<16xf32> to vector<1x16xf32>
        tpu.vector_store %arg13[%parallel_loop3A_274, %parallel_loop3A_275], %parallel_loop3A_278 {strides = array<i32>} : memref<200x64xf32, #tpu.memory_space<vmem>>, vector<1x16xf32>,
        %parallel_loop3A_279 = arith.index_cast %parallel_loop3A_227 : i32 to index
        %parallel_loop3A_280 = arith.constant 48 : index
        %parallel_loop3A_281 = tpu.vector_load %arg11[%parallel_loop3A_279, %parallel_loop3A_280] {strides = array<i32>} : memref<200x128xf32, #tpu.memory_space<vmem>>, vector<1x16xf32>,
        %parallel_loop3A_282 = vector.shape_cast %parallel_loop3A_281 : vector<1x16xf32> to vector<16xf32>
        %parallel_loop3A_283 = arith.constant 64 : i32
        %parallel_loop3A_284 = arith.muli %parallel_loop3A_227, %parallel_loop3A_283 : i32
        %parallel_loop3A_285 = arith.constant 48 : i32
        %parallel_loop3A_286 = arith.addi %parallel_loop3A_284, %parallel_loop3A_285 : i32
        %parallel_loop3A_287 = arith.index_cast %parallel_loop3A_286 : i32 to index
        %parallel_loop3A_288 = tpu.vector_load %arg14[%parallel_loop3A_287] {strides = array<i32>} : memref<12800xf32, #tpu.memory_space<vmem>>, vector<16xf32>,
        %parallel_loop3A_289 = vector.shape_cast %parallel_loop3A_288 : vector<16xf32> to vector<16xf32>
        %parallel_loop3A_290 = arith.addf %parallel_loop3A_282, %parallel_loop3A_289 : vector<16xf32>
        %parallel_loop3A_291 = arith.index_cast %parallel_loop3A_227 : i32 to index
        %parallel_loop3A_292 = arith.constant 48 : index
        %parallel_loop3A_293 = tpu.vector_load %arg13[%parallel_loop3A_291, %parallel_loop3A_292] {strides = array<i32>} : memref<200x64xf32, #tpu.memory_space<vmem>>, vector<1x16xf32>,
        %parallel_loop3A_294 = vector.shape_cast %parallel_loop3A_293 : vector<1x16xf32> to vector<16xf32>
        %parallel_loop3A_295 = vector.shape_cast %parallel_loop3A_290 : vector<16xf32> to vector<1x16xf32>
        tpu.vector_store %arg13[%parallel_loop3A_291, %parallel_loop3A_292], %parallel_loop3A_295 {strides = array<i32>} : memref<200x64xf32, #tpu.memory_space<vmem>>, vector<1x16xf32>,
      } {sc.loop_unroll_factor = 8 : i64, sc.parallel_access}
      %add3A_142 = arith.addi %mul3A_2, %add3A_114 : i32
      %dma_start3A_143 = arith.constant 0 : i32
      %dma_start3A_144 = arith.constant 0 : i32
      %dma_start3A_145 = tpu.memref_slice %arg5[%add3A_142, %dma_start3A_143, %dma_start3A_144] : memref<1024x200x64xf32, #tpu.memory_space<hbm>> -> memref<1x200x64xf32, #tpu.memory_space<hbm>>
      %dma_start3A_146 = tpu.memref_squeeze %dma_start3A_145 : memref<1x200x64xf32, #tpu.memory_space<hbm>> -> memref<200x64xf32, #tpu.memory_space<hbm>>
      %dma_start3A_147 = arith.constant 0 : i32
      %dma_start3A_148 = arith.constant 0 : i32
      %dma_start3A_149 = tpu.memref_slice %arg5[%add3A_142, %dma_start3A_147, %dma_start3A_148] : memref<1024x200x64xf32, #tpu.memory_space<hbm>> -> memref<1x200x64xf32, #tpu.memory_space<hbm>>
      %dma_start3A_150 = tpu.memref_squeeze %dma_start3A_149 : memref<1x200x64xf32, #tpu.memory_space<hbm>> -> memref<200x64xf32, #tpu.memory_space<hbm>>
      tpu.enqueue_dma source(%arg13 : memref<200x64xf32, #tpu.memory_space<vmem>>) target(%dma_start3A_150 : memref<200x64xf32, #tpu.memory_space<hbm>>) target_semaphore(%arg22 : memref<!tpu.dma_semaphore, #tpu.memory_space<semaphore_mem>>)
      %add3A_151 = arith.constant 2 : i32
      %add3A_152 = arith.addi %add3A_79, %add3A_151 : i32
      %add3A_153 = arith.constant 1 : i32
      %add3A_154 = arith.addi %add3A_152, %add3A_153 : i32
      %lt3A_155 = arith.constant 32 : i32
      %lt3A_156 = arith.cmpi slt, %add3A_154, %lt3A_155 : i32
      %convert_element_type3A_157 = arith.extui %lt3A_156 : i1 to i32
      %cond3A_158 = arith.constant 0 : i32
      %cond3A_159 = arith.cmpi ne, %convert_element_type3A_157, %cond3A_158 : i32
      scf.if %cond3A_159 {
        %mul3A_227 = arith.constant 200 : i32
        %mul3A_228 = arith.muli %mul3A_2, %mul3A_227 : i32
        %dma_wait3A_229 = arith.constant 0 : i32
        %dma_wait3A_230 = tpu.memref_slice %arg9[%dma_wait3A_229] : memref<224xi32, #tpu.memory_space<vmem>> -> memref<200xi32, #tpu.memory_space<vmem>>
        %dma_wait3A_231 = tpu.memref_slice %arg2[%mul3A_228] : memref<204800xi32, #tpu.memory_space<hbm>> -> memref<200xi32, #tpu.memory_space<hbm>>
        %dma_wait3A_232 = arith.constant 0 : i32
        %dma_wait3A_233 = tpu.memref_slice %arg9[%dma_wait3A_232] : memref<224xi32, #tpu.memory_space<vmem>> -> memref<200xi32, #tpu.memory_space<vmem>>
        %dma_wait3A_234 = tpu.memref_slice %arg2[%mul3A_228] : memref<204800xi32, #tpu.memory_space<hbm>> -> memref<200xi32, #tpu.memory_space<hbm>>
        tpu.wait_dma2 semaphore(%arg18 : memref<!tpu.dma_semaphore, #tpu.memory_space<semaphore_mem>>) src(%dma_wait3A_234 : memref<200xi32, #tpu.memory_space<hbm>>) dst(%dma_wait3A_233 : memref<200xi32, #tpu.memory_space<vmem>>)
        %dma_start3A_235 = arith.constant 0 : i32
        %dma_start3A_236 = arith.constant 0 : i32
        %dma_start3A_237 = tpu.memref_slice %arg11[%dma_start3A_235, %dma_start3A_236] : memref<200x128xf32, #tpu.memory_space<vmem>> -> memref<104x128xf32, #tpu.memory_space<vmem>>
        %dma_start3A_238 = arith.constant 0 : i32
        %dma_start3A_239 = tpu.memref_slice %arg9[%dma_start3A_238] : memref<224xi32, #tpu.memory_space<vmem>> -> memref<104xi32, #tpu.memory_space<vmem>>
        %dma_start3A_240 = arith.constant 0 : i32
        %dma_start3A_241 = arith.constant 0 : i32
        %dma_start3A_242 = tpu.memref_slice %arg3[%dma_start3A_240, %dma_start3A_241] : memref<1000000x128xf32, #tpu.memory_space<hbm>> -> memref<1000000x128xf32, #tpu.memory_space<hbm>>
        tpu.enqueue_indirect_dma source(%dma_start3A_242 : memref<1000000x128xf32, #tpu.memory_space<hbm>>) target(%dma_start3A_237 : memref<104x128xf32, #tpu.memory_space<vmem>>) offsets(%dma_start3A_239 : memref<104xi32, #tpu.memory_space<vmem>>) semaphore(%arg20 : memref<!tpu.dma_semaphore, #tpu.memory_space<semaphore_mem>>)
        %dma_start3A_243 = arith.constant 104 : i32
        %dma_start3A_244 = arith.constant 0 : i32
        %dma_start3A_245 = tpu.memref_slice %arg11[%dma_start3A_243, %dma_start3A_244] : memref<200x128xf32, #tpu.memory_space<vmem>> -> memref<96x128xf32, #tpu.memory_space<vmem>>
        %dma_start3A_246 = arith.constant 104 : i32
        %dma_start3A_247 = tpu.memref_slice %arg9[%dma_start3A_246] : memref<224xi32, #tpu.memory_space<vmem>> -> memref<96xi32, #tpu.memory_space<vmem>>
        %dma_start3A_248 = arith.constant 0 : i32
        %dma_start3A_249 = arith.constant 0 : i32
        %dma_start3A_250 = tpu.memref_slice %arg3[%dma_start3A_248, %dma_start3A_249] : memref<1000000x128xf32, #tpu.memory_space<hbm>> -> memref<1000000x128xf32, #tpu.memory_space<hbm>>
        tpu.enqueue_indirect_dma source(%dma_start3A_250 : memref<1000000x128xf32, #tpu.memory_space<hbm>>) target(%dma_start3A_245 : memref<96x128xf32, #tpu.memory_space<vmem>>) offsets(%dma_start3A_247 : memref<96xi32, #tpu.memory_space<vmem>>) semaphore(%arg20 : memref<!tpu.dma_semaphore, #tpu.memory_space<semaphore_mem>>)
      } else {
      }
      %dma_wait3A_160 = arith.constant 0 : i32
      %dma_wait3A_161 = tpu.memref_slice %arg6[%dma_wait3A_160] : memref<224xi32, #tpu.memory_space<vmem>> -> memref<200xi32, #tpu.memory_space<vmem>>
      %dma_wait3A_162 = arith.constant 0 : i32
      %dma_wait3A_163 = arith.constant 0 : i32
      %dma_wait3A_164 = tpu.memref_slice %arg3[%dma_wait3A_162, %dma_wait3A_163] : memref<1000000x128xf32, #tpu.memory_space<hbm>> -> memref<1000000x128xf32, #tpu.memory_space<hbm>>
      tpu.wait_indirect_dma semaphore(%arg19 : memref<!tpu.dma_semaphore, #tpu.memory_space<semaphore_mem>>) src(%dma_wait3A_164 : memref<1000000x128xf32, #tpu.memory_space<hbm>>) dst(%arg10 : memref<200x128xf32, #tpu.memory_space<vmem>>)
      %add3A_165 = arith.constant 3 : i32
      %add3A_166 = arith.addi %add3A_152, %add3A_165 : i32
      %lt3A_167 = arith.constant 32 : i32
      %lt3A_168 = arith.cmpi slt, %add3A_166, %lt3A_167 : i32
      %convert_element_type3A_169 = arith.extui %lt3A_168 : i1 to i32
      %cond3A_170 = arith.constant 0 : i32
      %cond3A_171 = arith.cmpi ne, %convert_element_type3A_169, %cond3A_170 : i32
      scf.if %cond3A_171 {
        %add3A_227 = arith.constant 3 : i32
        %add3A_228 = arith.addi %add3A_152, %add3A_227 : i32
        %add3A_229 = arith.addi %mul3A_2, %add3A_228 : i32
        %mul3A_230 = arith.constant 200 : i32
        %mul3A_231 = arith.muli %add3A_229, %mul3A_230 : i32
        %dma_start3A_232 = arith.constant 0 : i32
        %dma_start3A_233 = tpu.memref_slice %arg7[%dma_start3A_232] : memref<224xi32, #tpu.memory_space<vmem>> -> memref<200xi32, #tpu.memory_space<vmem>>
        %dma_start3A_234 = tpu.memref_slice %arg2[%mul3A_231] : memref<204800xi32, #tpu.memory_space<hbm>> -> memref<200xi32, #tpu.memory_space<hbm>>
        %dma_start3A_235 = arith.constant 0 : i32
        %dma_start3A_236 = tpu.memref_slice %arg7[%dma_start3A_235] : memref<224xi32, #tpu.memory_space<vmem>> -> memref<200xi32, #tpu.memory_space<vmem>>
        %dma_start3A_237 = tpu.memref_slice %arg2[%mul3A_231] : memref<204800xi32, #tpu.memory_space<hbm>> -> memref<200xi32, #tpu.memory_space<hbm>>
        tpu.enqueue_dma source(%dma_start3A_237 : memref<200xi32, #tpu.memory_space<hbm>>) target(%dma_start3A_236 : memref<200xi32, #tpu.memory_space<vmem>>) target_semaphore(%arg16 : memref<!tpu.dma_semaphore, #tpu.memory_space<semaphore_mem>>)
      } else {
      }
      %ge3A_172 = arith.constant 2 : i32
      %ge3A_173 = arith.cmpi sge, %add3A_152, %ge3A_172 : i32
      %convert_element_type3A_174 = arith.extui %ge3A_173 : i1 to i32
      %cond3A_175 = arith.constant 0 : i32
      %cond3A_176 = arith.cmpi ne, %convert_element_type3A_174, %cond3A_175 : i32
      scf.if %cond3A_176 {
        %dma_wait3A_227 = arith.constant 0 : i32
        %dma_wait3A_228 = arith.constant 0 : i32
        %dma_wait3A_229 = tpu.memref_slice %arg5[%mul3A_2, %dma_wait3A_227, %dma_wait3A_228] : memref<1024x200x64xf32, #tpu.memory_space<hbm>> -> memref<1x200x64xf32, #tpu.memory_space<hbm>>
        %dma_wait3A_230 = tpu.memref_squeeze %dma_wait3A_229 : memref<1x200x64xf32, #tpu.memory_space<hbm>> -> memref<200x64xf32, #tpu.memory_space<hbm>>
        %dma_wait3A_231 = arith.constant 0 : i32
        %dma_wait3A_232 = arith.constant 0 : i32
        %dma_wait3A_233 = tpu.memref_slice %arg5[%mul3A_2, %dma_wait3A_231, %dma_wait3A_232] : memref<1024x200x64xf32, #tpu.memory_space<hbm>> -> memref<1x200x64xf32, #tpu.memory_space<hbm>>
        %dma_wait3A_234 = tpu.memref_squeeze %dma_wait3A_233 : memref<1x200x64xf32, #tpu.memory_space<hbm>> -> memref<200x64xf32, #tpu.memory_space<hbm>>
        tpu.wait_dma2 semaphore(%arg21 : memref<!tpu.dma_semaphore, #tpu.memory_space<semaphore_mem>>) src(%arg12 : memref<200x64xf32, #tpu.memory_space<vmem>>) dst(%dma_wait3A_234 : memref<200x64xf32, #tpu.memory_space<hbm>>)
      } else {
      }
      %parallel_loop3A_177 = arith.constant 0 : i32
      %parallel_loop3A_178 = arith.constant 200 : i32
      %parallel_loop3A_179 = arith.constant 1 : i32
      scf.for %parallel_loop3A_227 = %parallel_loop3A_177 to %parallel_loop3A_178 step %parallel_loop3A_179  : i32 {
        %parallel_loop3A_228 = arith.index_cast %parallel_loop3A_227 : i32 to index
        %parallel_loop3A_229 = arith.constant 0 : index
        %parallel_loop3A_230 = tpu.vector_load %arg10[%parallel_loop3A_228, %parallel_loop3A_229] {strides = array<i32>} : memref<200x128xf32, #tpu.memory_space<vmem>>, vector<1x16xf32>,
        %parallel_loop3A_231 = vector.shape_cast %parallel_loop3A_230 : vector<1x16xf32> to vector<16xf32>
        %parallel_loop3A_232 = arith.constant 64 : i32
        %parallel_loop3A_233 = arith.muli %parallel_loop3A_227, %parallel_loop3A_232 : i32
        %parallel_loop3A_234 = arith.constant 0 : i32
        %parallel_loop3A_235 = arith.addi %parallel_loop3A_233, %parallel_loop3A_234 : i32
        %parallel_loop3A_236 = arith.index_cast %parallel_loop3A_235 : i32 to index
        %parallel_loop3A_237 = tpu.vector_load %arg14[%parallel_loop3A_236] {strides = array<i32>} : memref<12800xf32, #tpu.memory_space<vmem>>, vector<16xf32>,
        %parallel_loop3A_238 = vector.shape_cast %parallel_loop3A_237 : vector<16xf32> to vector<16xf32>
        %parallel_loop3A_239 = arith.addf %parallel_loop3A_231, %parallel_loop3A_238 : vector<16xf32>
        %parallel_loop3A_240 = arith.index_cast %parallel_loop3A_227 : i32 to index
        %parallel_loop3A_241 = arith.constant 0 : index
        %parallel_loop3A_242 = tpu.vector_load %arg12[%parallel_loop3A_240, %parallel_loop3A_241] {strides = array<i32>} : memref<200x64xf32, #tpu.memory_space<vmem>>, vector<1x16xf32>,
        %parallel_loop3A_243 = vector.shape_cast %parallel_loop3A_242 : vector<1x16xf32> to vector<16xf32>
        %parallel_loop3A_244 = vector.shape_cast %parallel_loop3A_239 : vector<16xf32> to vector<1x16xf32>
        tpu.vector_store %arg12[%parallel_loop3A_240, %parallel_loop3A_241], %parallel_loop3A_244 {strides = array<i32>} : memref<200x64xf32, #tpu.memory_space<vmem>>, vector<1x16xf32>,
        %parallel_loop3A_245 = arith.index_cast %parallel_loop3A_227 : i32 to index
        %parallel_loop3A_246 = arith.constant 16 : index
        %parallel_loop3A_247 = tpu.vector_load %arg10[%parallel_loop3A_245, %parallel_loop3A_246] {strides = array<i32>} : memref<200x128xf32, #tpu.memory_space<vmem>>, vector<1x16xf32>,
        %parallel_loop3A_248 = vector.shape_cast %parallel_loop3A_247 : vector<1x16xf32> to vector<16xf32>
        %parallel_loop3A_249 = arith.constant 64 : i32
        %parallel_loop3A_250 = arith.muli %parallel_loop3A_227, %parallel_loop3A_249 : i32
        %parallel_loop3A_251 = arith.constant 16 : i32
        %parallel_loop3A_252 = arith.addi %parallel_loop3A_250, %parallel_loop3A_251 : i32
        %parallel_loop3A_253 = arith.index_cast %parallel_loop3A_252 : i32 to index
        %parallel_loop3A_254 = tpu.vector_load %arg14[%parallel_loop3A_253] {strides = array<i32>} : memref<12800xf32, #tpu.memory_space<vmem>>, vector<16xf32>,
        %parallel_loop3A_255 = vector.shape_cast %parallel_loop3A_254 : vector<16xf32> to vector<16xf32>
        %parallel_loop3A_256 = arith.addf %parallel_loop3A_248, %parallel_loop3A_255 : vector<16xf32>
        %parallel_loop3A_257 = arith.index_cast %parallel_loop3A_227 : i32 to index
        %parallel_loop3A_258 = arith.constant 16 : index
        %parallel_loop3A_259 = tpu.vector_load %arg12[%parallel_loop3A_257, %parallel_loop3A_258] {strides = array<i32>} : memref<200x64xf32, #tpu.memory_space<vmem>>, vector<1x16xf32>,
        %parallel_loop3A_260 = vector.shape_cast %parallel_loop3A_259 : vector<1x16xf32> to vector<16xf32>
        %parallel_loop3A_261 = vector.shape_cast %parallel_loop3A_256 : vector<16xf32> to vector<1x16xf32>
        tpu.vector_store %arg12[%parallel_loop3A_257, %parallel_loop3A_258], %parallel_loop3A_261 {strides = array<i32>} : memref<200x64xf32, #tpu.memory_space<vmem>>, vector<1x16xf32>,
        %parallel_loop3A_262 = arith.index_cast %parallel_loop3A_227 : i32 to index
        %parallel_loop3A_263 = arith.constant 32 : index
        %parallel_loop3A_264 = tpu.vector_load %arg10[%parallel_loop3A_262, %parallel_loop3A_263] {strides = array<i32>} : memref<200x128xf32, #tpu.memory_space<vmem>>, vector<1x16xf32>,
        %parallel_loop3A_265 = vector.shape_cast %parallel_loop3A_264 : vector<1x16xf32> to vector<16xf32>
        %parallel_loop3A_266 = arith.constant 64 : i32
        %parallel_loop3A_267 = arith.muli %parallel_loop3A_227, %parallel_loop3A_266 : i32
        %parallel_loop3A_268 = arith.constant 32 : i32
        %parallel_loop3A_269 = arith.addi %parallel_loop3A_267, %parallel_loop3A_268 : i32
        %parallel_loop3A_270 = arith.index_cast %parallel_loop3A_269 : i32 to index
        %parallel_loop3A_271 = tpu.vector_load %arg14[%parallel_loop3A_270] {strides = array<i32>} : memref<12800xf32, #tpu.memory_space<vmem>>, vector<16xf32>,
        %parallel_loop3A_272 = vector.shape_cast %parallel_loop3A_271 : vector<16xf32> to vector<16xf32>
        %parallel_loop3A_273 = arith.addf %parallel_loop3A_265, %parallel_loop3A_272 : vector<16xf32>
        %parallel_loop3A_274 = arith.index_cast %parallel_loop3A_227 : i32 to index
        %parallel_loop3A_275 = arith.constant 32 : index
        %parallel_loop3A_276 = tpu.vector_load %arg12[%parallel_loop3A_274, %parallel_loop3A_275] {strides = array<i32>} : memref<200x64xf32, #tpu.memory_space<vmem>>, vector<1x16xf32>,
        %parallel_loop3A_277 = vector.shape_cast %parallel_loop3A_276 : vector<1x16xf32> to vector<16xf32>
        %parallel_loop3A_278 = vector.shape_cast %parallel_loop3A_273 : vector<16xf32> to vector<1x16xf32>
        tpu.vector_store %arg12[%parallel_loop3A_274, %parallel_loop3A_275], %parallel_loop3A_278 {strides = array<i32>} : memref<200x64xf32, #tpu.memory_space<vmem>>, vector<1x16xf32>,
        %parallel_loop3A_279 = arith.index_cast %parallel_loop3A_227 : i32 to index
        %parallel_loop3A_280 = arith.constant 48 : index
        %parallel_loop3A_281 = tpu.vector_load %arg10[%parallel_loop3A_279, %parallel_loop3A_280] {strides = array<i32>} : memref<200x128xf32, #tpu.memory_space<vmem>>, vector<1x16xf32>,
        %parallel_loop3A_282 = vector.shape_cast %parallel_loop3A_281 : vector<1x16xf32> to vector<16xf32>
        %parallel_loop3A_283 = arith.constant 64 : i32
        %parallel_loop3A_284 = arith.muli %parallel_loop3A_227, %parallel_loop3A_283 : i32
        %parallel_loop3A_285 = arith.constant 48 : i32
        %parallel_loop3A_286 = arith.addi %parallel_loop3A_284, %parallel_loop3A_285 : i32
        %parallel_loop3A_287 = arith.index_cast %parallel_loop3A_286 : i32 to index
        %parallel_loop3A_288 = tpu.vector_load %arg14[%parallel_loop3A_287] {strides = array<i32>} : memref<12800xf32, #tpu.memory_space<vmem>>, vector<16xf32>,
        %parallel_loop3A_289 = vector.shape_cast %parallel_loop3A_288 : vector<16xf32> to vector<16xf32>
        %parallel_loop3A_290 = arith.addf %parallel_loop3A_282, %parallel_loop3A_289 : vector<16xf32>
        %parallel_loop3A_291 = arith.index_cast %parallel_loop3A_227 : i32 to index
        %parallel_loop3A_292 = arith.constant 48 : index
        %parallel_loop3A_293 = tpu.vector_load %arg12[%parallel_loop3A_291, %parallel_loop3A_292] {strides = array<i32>} : memref<200x64xf32, #tpu.memory_space<vmem>>, vector<1x16xf32>,
        %parallel_loop3A_294 = vector.shape_cast %parallel_loop3A_293 : vector<1x16xf32> to vector<16xf32>
        %parallel_loop3A_295 = vector.shape_cast %parallel_loop3A_290 : vector<16xf32> to vector<1x16xf32>
        tpu.vector_store %arg12[%parallel_loop3A_291, %parallel_loop3A_292], %parallel_loop3A_295 {strides = array<i32>} : memref<200x64xf32, #tpu.memory_space<vmem>>, vector<1x16xf32>,
      } {sc.loop_unroll_factor = 8 : i64, sc.parallel_access}
      %add3A_180 = arith.addi %mul3A_2, %add3A_152 : i32
      %dma_start3A_181 = arith.constant 0 : i32
      %dma_start3A_182 = arith.constant 0 : i32
      %dma_start3A_183 = tpu.memref_slice %arg5[%add3A_180, %dma_start3A_181, %dma_start3A_182] : memref<1024x200x64xf32, #tpu.memory_space<hbm>> -> memref<1x200x64xf32, #tpu.memory_space<hbm>>
      %dma_start3A_184 = tpu.memref_squeeze %dma_start3A_183 : memref<1x200x64xf32, #tpu.memory_space<hbm>> -> memref<200x64xf32, #tpu.memory_space<hbm>>
      %dma_start3A_185 = arith.constant 0 : i32
      %dma_start3A_186 = arith.constant 0 : i32
      %dma_start3A_187 = tpu.memref_slice %arg5[%add3A_180, %dma_start3A_185, %dma_start3A_186] : memref<1024x200x64xf32, #tpu.memory_space<hbm>> -> memref<1x200x64xf32, #tpu.memory_space<hbm>>
      %dma_start3A_188 = tpu.memref_squeeze %dma_start3A_187 : memref<1x200x64xf32, #tpu.memory_space<hbm>> -> memref<200x64xf32, #tpu.memory_space<hbm>>
      tpu.enqueue_dma source(%arg12 : memref<200x64xf32, #tpu.memory_space<vmem>>) target(%dma_start3A_188 : memref<200x64xf32, #tpu.memory_space<hbm>>) target_semaphore(%arg21 : memref<!tpu.dma_semaphore, #tpu.memory_space<semaphore_mem>>)
      %add3A_189 = arith.constant 3 : i32
      %add3A_190 = arith.addi %add3A_79, %add3A_189 : i32
      %add3A_191 = arith.constant 1 : i32
      %add3A_192 = arith.addi %add3A_190, %add3A_191 : i32
      %lt3A_193 = arith.constant 32 : i32
      %lt3A_194 = arith.cmpi slt, %add3A_192, %lt3A_193 : i32
      %convert_element_type3A_195 = arith.extui %lt3A_194 : i1 to i32
      %cond3A_196 = arith.constant 0 : i32
      %cond3A_197 = arith.cmpi ne, %convert_element_type3A_195, %cond3A_196 : i32
      scf.if %cond3A_197 {
        %mul3A_227 = arith.constant 200 : i32
        %mul3A_228 = arith.muli %mul3A_2, %mul3A_227 : i32
        %dma_wait3A_229 = arith.constant 0 : i32
        %dma_wait3A_230 = tpu.memref_slice %arg6[%dma_wait3A_229] : memref<224xi32, #tpu.memory_space<vmem>> -> memref<200xi32, #tpu.memory_space<vmem>>
        %dma_wait3A_231 = tpu.memref_slice %arg2[%mul3A_228] : memref<204800xi32, #tpu.memory_space<hbm>> -> memref<200xi32, #tpu.memory_space<hbm>>
        %dma_wait3A_232 = arith.constant 0 : i32
        %dma_wait3A_233 = tpu.memref_slice %arg6[%dma_wait3A_232] : memref<224xi32, #tpu.memory_space<vmem>> -> memref<200xi32, #tpu.memory_space<vmem>>
        %dma_wait3A_234 = tpu.memref_slice %arg2[%mul3A_228] : memref<204800xi32, #tpu.memory_space<hbm>> -> memref<200xi32, #tpu.memory_space<hbm>>
        tpu.wait_dma2 semaphore(%arg15 : memref<!tpu.dma_semaphore, #tpu.memory_space<semaphore_mem>>) src(%dma_wait3A_234 : memref<200xi32, #tpu.memory_space<hbm>>) dst(%dma_wait3A_233 : memref<200xi32, #tpu.memory_space<vmem>>)
        %dma_start3A_235 = arith.constant 0 : i32
        %dma_start3A_236 = arith.constant 0 : i32
        %dma_start3A_237 = tpu.memref_slice %arg10[%dma_start3A_235, %dma_start3A_236] : memref<200x128xf32, #tpu.memory_space<vmem>> -> memref<104x128xf32, #tpu.memory_space<vmem>>
        %dma_start3A_238 = arith.constant 0 : i32
        %dma_start3A_239 = tpu.memref_slice %arg6[%dma_start3A_238] : memref<224xi32, #tpu.memory_space<vmem>> -> memref<104xi32, #tpu.memory_space<vmem>>
        %dma_start3A_240 = arith.constant 0 : i32
        %dma_start3A_241 = arith.constant 0 : i32
        %dma_start3A_242 = tpu.memref_slice %arg3[%dma_start3A_240, %dma_start3A_241] : memref<1000000x128xf32, #tpu.memory_space<hbm>> -> memref<1000000x128xf32, #tpu.memory_space<hbm>>
        tpu.enqueue_indirect_dma source(%dma_start3A_242 : memref<1000000x128xf32, #tpu.memory_space<hbm>>) target(%dma_start3A_237 : memref<104x128xf32, #tpu.memory_space<vmem>>) offsets(%dma_start3A_239 : memref<104xi32, #tpu.memory_space<vmem>>) semaphore(%arg19 : memref<!tpu.dma_semaphore, #tpu.memory_space<semaphore_mem>>)
        %dma_start3A_243 = arith.constant 104 : i32
        %dma_start3A_244 = arith.constant 0 : i32
        %dma_start3A_245 = tpu.memref_slice %arg10[%dma_start3A_243, %dma_start3A_244] : memref<200x128xf32, #tpu.memory_space<vmem>> -> memref<96x128xf32, #tpu.memory_space<vmem>>
        %dma_start3A_246 = arith.constant 104 : i32
        %dma_start3A_247 = tpu.memref_slice %arg6[%dma_start3A_246] : memref<224xi32, #tpu.memory_space<vmem>> -> memref<96xi32, #tpu.memory_space<vmem>>
        %dma_start3A_248 = arith.constant 0 : i32
        %dma_start3A_249 = arith.constant 0 : i32
        %dma_start3A_250 = tpu.memref_slice %arg3[%dma_start3A_248, %dma_start3A_249] : memref<1000000x128xf32, #tpu.memory_space<hbm>> -> memref<1000000x128xf32, #tpu.memory_space<hbm>>
        tpu.enqueue_indirect_dma source(%dma_start3A_250 : memref<1000000x128xf32, #tpu.memory_space<hbm>>) target(%dma_start3A_245 : memref<96x128xf32, #tpu.memory_space<vmem>>) offsets(%dma_start3A_247 : memref<96xi32, #tpu.memory_space<vmem>>) semaphore(%arg19 : memref<!tpu.dma_semaphore, #tpu.memory_space<semaphore_mem>>)
      } else {
      }
      %dma_wait3A_198 = arith.constant 0 : i32
      %dma_wait3A_199 = tpu.memref_slice %arg6[%dma_wait3A_198] : memref<224xi32, #tpu.memory_space<vmem>> -> memref<200xi32, #tpu.memory_space<vmem>>
      %dma_wait3A_200 = arith.constant 0 : i32
      %dma_wait3A_201 = arith.constant 0 : i32
      %dma_wait3A_202 = tpu.memref_slice %arg3[%dma_wait3A_200, %dma_wait3A_201] : memref<1000000x128xf32, #tpu.memory_space<hbm>> -> memref<1000000x128xf32, #tpu.memory_space<hbm>>
      tpu.wait_indirect_dma semaphore(%arg20 : memref<!tpu.dma_semaphore, #tpu.memory_space<semaphore_mem>>) src(%dma_wait3A_202 : memref<1000000x128xf32, #tpu.memory_space<hbm>>) dst(%arg11 : memref<200x128xf32, #tpu.memory_space<vmem>>)
      %add3A_203 = arith.constant 3 : i32
      %add3A_204 = arith.addi %add3A_190, %add3A_203 : i32
      %lt3A_205 = arith.constant 32 : i32
      %lt3A_206 = arith.cmpi slt, %add3A_204, %lt3A_205 : i32
      %convert_element_type3A_207 = arith.extui %lt3A_206 : i1 to i32
      %cond3A_208 = arith.constant 0 : i32
      %cond3A_209 = arith.cmpi ne, %convert_element_type3A_207, %cond3A_208 : i32
      scf.if %cond3A_209 {
        %add3A_227 = arith.constant 3 : i32
        %add3A_228 = arith.addi %add3A_190, %add3A_227 : i32
        %add3A_229 = arith.addi %mul3A_2, %add3A_228 : i32
        %mul3A_230 = arith.constant 200 : i32
        %mul3A_231 = arith.muli %add3A_229, %mul3A_230 : i32
        %dma_start3A_232 = arith.constant 0 : i32
        %dma_start3A_233 = tpu.memref_slice %arg8[%dma_start3A_232] : memref<224xi32, #tpu.memory_space<vmem>> -> memref<200xi32, #tpu.memory_space<vmem>>
        %dma_start3A_234 = tpu.memref_slice %arg2[%mul3A_231] : memref<204800xi32, #tpu.memory_space<hbm>> -> memref<200xi32, #tpu.memory_space<hbm>>
        %dma_start3A_235 = arith.constant 0 : i32
        %dma_start3A_236 = tpu.memref_slice %arg8[%dma_start3A_235] : memref<224xi32, #tpu.memory_space<vmem>> -> memref<200xi32, #tpu.memory_space<vmem>>
        %dma_start3A_237 = tpu.memref_slice %arg2[%mul3A_231] : memref<204800xi32, #tpu.memory_space<hbm>> -> memref<200xi32, #tpu.memory_space<hbm>>
        tpu.enqueue_dma source(%dma_start3A_237 : memref<200xi32, #tpu.memory_space<hbm>>) target(%dma_start3A_236 : memref<200xi32, #tpu.memory_space<vmem>>) target_semaphore(%arg17 : memref<!tpu.dma_semaphore, #tpu.memory_space<semaphore_mem>>)
      } else {
      }
      %ge3A_210 = arith.constant 2 : i32
      %ge3A_211 = arith.cmpi sge, %add3A_190, %ge3A_210 : i32
      %convert_element_type3A_212 = arith.extui %ge3A_211 : i1 to i32
      %cond3A_213 = arith.constant 0 : i32
      %cond3A_214 = arith.cmpi ne, %convert_element_type3A_212, %cond3A_213 : i32
      scf.if %cond3A_214 {
        %dma_wait3A_227 = arith.constant 0 : i32
        %dma_wait3A_228 = arith.constant 0 : i32
        %dma_wait3A_229 = tpu.memref_slice %arg5[%mul3A_2, %dma_wait3A_227, %dma_wait3A_228] : memref<1024x200x64xf32, #tpu.memory_space<hbm>> -> memref<1x200x64xf32, #tpu.memory_space<hbm>>
        %dma_wait3A_230 = tpu.memref_squeeze %dma_wait3A_229 : memref<1x200x64xf32, #tpu.memory_space<hbm>> -> memref<200x64xf32, #tpu.memory_space<hbm>>
        %dma_wait3A_231 = arith.constant 0 : i32
        %dma_wait3A_232 = arith.constant 0 : i32
        %dma_wait3A_233 = tpu.memref_slice %arg5[%mul3A_2, %dma_wait3A_231, %dma_wait3A_232] : memref<1024x200x64xf32, #tpu.memory_space<hbm>> -> memref<1x200x64xf32, #tpu.memory_space<hbm>>
        %dma_wait3A_234 = tpu.memref_squeeze %dma_wait3A_233 : memref<1x200x64xf32, #tpu.memory_space<hbm>> -> memref<200x64xf32, #tpu.memory_space<hbm>>
        tpu.wait_dma2 semaphore(%arg22 : memref<!tpu.dma_semaphore, #tpu.memory_space<semaphore_mem>>) src(%arg13 : memref<200x64xf32, #tpu.memory_space<vmem>>) dst(%dma_wait3A_234 : memref<200x64xf32, #tpu.memory_space<hbm>>)
      } else {
      }
      %parallel_loop3A_215 = arith.constant 0 : i32
      %parallel_loop3A_216 = arith.constant 200 : i32
      %parallel_loop3A_217 = arith.constant 1 : i32
      scf.for %parallel_loop3A_227 = %parallel_loop3A_215 to %parallel_loop3A_216 step %parallel_loop3A_217  : i32 {
        %parallel_loop3A_228 = arith.index_cast %parallel_loop3A_227 : i32 to index
        %parallel_loop3A_229 = arith.constant 0 : index
        %parallel_loop3A_230 = tpu.vector_load %arg11[%parallel_loop3A_228, %parallel_loop3A_229] {strides = array<i32>} : memref<200x128xf32, #tpu.memory_space<vmem>>, vector<1x16xf32>,
        %parallel_loop3A_231 = vector.shape_cast %parallel_loop3A_230 : vector<1x16xf32> to vector<16xf32>
        %parallel_loop3A_232 = arith.constant 64 : i32
        %parallel_loop3A_233 = arith.muli %parallel_loop3A_227, %parallel_loop3A_232 : i32
        %parallel_loop3A_234 = arith.constant 0 : i32
        %parallel_loop3A_235 = arith.addi %parallel_loop3A_233, %parallel_loop3A_234 : i32
        %parallel_loop3A_236 = arith.index_cast %parallel_loop3A_235 : i32 to index
        %parallel_loop3A_237 = tpu.vector_load %arg14[%parallel_loop3A_236] {strides = array<i32>} : memref<12800xf32, #tpu.memory_space<vmem>>, vector<16xf32>,
        %parallel_loop3A_238 = vector.shape_cast %parallel_loop3A_237 : vector<16xf32> to vector<16xf32>
        %parallel_loop3A_239 = arith.addf %parallel_loop3A_231, %parallel_loop3A_238 : vector<16xf32>
        %parallel_loop3A_240 = arith.index_cast %parallel_loop3A_227 : i32 to index
        %parallel_loop3A_241 = arith.constant 0 : index
        %parallel_loop3A_242 = tpu.vector_load %arg13[%parallel_loop3A_240, %parallel_loop3A_241] {strides = array<i32>} : memref<200x64xf32, #tpu.memory_space<vmem>>, vector<1x16xf32>,
        %parallel_loop3A_243 = vector.shape_cast %parallel_loop3A_242 : vector<1x16xf32> to vector<16xf32>
        %parallel_loop3A_244 = vector.shape_cast %parallel_loop3A_239 : vector<16xf32> to vector<1x16xf32>
        tpu.vector_store %arg13[%parallel_loop3A_240, %parallel_loop3A_241], %parallel_loop3A_244 {strides = array<i32>} : memref<200x64xf32, #tpu.memory_space<vmem>>, vector<1x16xf32>,
        %parallel_loop3A_245 = arith.index_cast %parallel_loop3A_227 : i32 to index
        %parallel_loop3A_246 = arith.constant 16 : index
        %parallel_loop3A_247 = tpu.vector_load %arg11[%parallel_loop3A_245, %parallel_loop3A_246] {strides = array<i32>} : memref<200x128xf32, #tpu.memory_space<vmem>>, vector<1x16xf32>,
        %parallel_loop3A_248 = vector.shape_cast %parallel_loop3A_247 : vector<1x16xf32> to vector<16xf32>
        %parallel_loop3A_249 = arith.constant 64 : i32
        %parallel_loop3A_250 = arith.muli %parallel_loop3A_227, %parallel_loop3A_249 : i32
        %parallel_loop3A_251 = arith.constant 16 : i32
        %parallel_loop3A_252 = arith.addi %parallel_loop3A_250, %parallel_loop3A_251 : i32
        %parallel_loop3A_253 = arith.index_cast %parallel_loop3A_252 : i32 to index
        %parallel_loop3A_254 = tpu.vector_load %arg14[%parallel_loop3A_253] {strides = array<i32>} : memref<12800xf32, #tpu.memory_space<vmem>>, vector<16xf32>,
        %parallel_loop3A_255 = vector.shape_cast %parallel_loop3A_254 : vector<16xf32> to vector<16xf32>
        %parallel_loop3A_256 = arith.addf %parallel_loop3A_248, %parallel_loop3A_255 : vector<16xf32>
        %parallel_loop3A_257 = arith.index_cast %parallel_loop3A_227 : i32 to index
        %parallel_loop3A_258 = arith.constant 16 : index
        %parallel_loop3A_259 = tpu.vector_load %arg13[%parallel_loop3A_257, %parallel_loop3A_258] {strides = array<i32>} : memref<200x64xf32, #tpu.memory_space<vmem>>, vector<1x16xf32>,
        %parallel_loop3A_260 = vector.shape_cast %parallel_loop3A_259 : vector<1x16xf32> to vector<16xf32>
        %parallel_loop3A_261 = vector.shape_cast %parallel_loop3A_256 : vector<16xf32> to vector<1x16xf32>
        tpu.vector_store %arg13[%parallel_loop3A_257, %parallel_loop3A_258], %parallel_loop3A_261 {strides = array<i32>} : memref<200x64xf32, #tpu.memory_space<vmem>>, vector<1x16xf32>,
        %parallel_loop3A_262 = arith.index_cast %parallel_loop3A_227 : i32 to index
        %parallel_loop3A_263 = arith.constant 32 : index
        %parallel_loop3A_264 = tpu.vector_load %arg11[%parallel_loop3A_262, %parallel_loop3A_263] {strides = array<i32>} : memref<200x128xf32, #tpu.memory_space<vmem>>, vector<1x16xf32>,
        %parallel_loop3A_265 = vector.shape_cast %parallel_loop3A_264 : vector<1x16xf32> to vector<16xf32>
        %parallel_loop3A_266 = arith.constant 64 : i32
        %parallel_loop3A_267 = arith.muli %parallel_loop3A_227, %parallel_loop3A_266 : i32
        %parallel_loop3A_268 = arith.constant 32 : i32
        %parallel_loop3A_269 = arith.addi %parallel_loop3A_267, %parallel_loop3A_268 : i32
        %parallel_loop3A_270 = arith.index_cast %parallel_loop3A_269 : i32 to index
        %parallel_loop3A_271 = tpu.vector_load %arg14[%parallel_loop3A_270] {strides = array<i32>} : memref<12800xf32, #tpu.memory_space<vmem>>, vector<16xf32>,
        %parallel_loop3A_272 = vector.shape_cast %parallel_loop3A_271 : vector<16xf32> to vector<16xf32>
        %parallel_loop3A_273 = arith.addf %parallel_loop3A_265, %parallel_loop3A_272 : vector<16xf32>
        %parallel_loop3A_274 = arith.index_cast %parallel_loop3A_227 : i32 to index
        %parallel_loop3A_275 = arith.constant 32 : index
        %parallel_loop3A_276 = tpu.vector_load %arg13[%parallel_loop3A_274, %parallel_loop3A_275] {strides = array<i32>} : memref<200x64xf32, #tpu.memory_space<vmem>>, vector<1x16xf32>,
        %parallel_loop3A_277 = vector.shape_cast %parallel_loop3A_276 : vector<1x16xf32> to vector<16xf32>
        %parallel_loop3A_278 = vector.shape_cast %parallel_loop3A_273 : vector<16xf32> to vector<1x16xf32>
        tpu.vector_store %arg13[%parallel_loop3A_274, %parallel_loop3A_275], %parallel_loop3A_278 {strides = array<i32>} : memref<200x64xf32, #tpu.memory_space<vmem>>, vector<1x16xf32>,
        %parallel_loop3A_279 = arith.index_cast %parallel_loop3A_227 : i32 to index
        %parallel_loop3A_280 = arith.constant 48 : index
        %parallel_loop3A_281 = tpu.vector_load %arg11[%parallel_loop3A_279, %parallel_loop3A_280] {strides = array<i32>} : memref<200x128xf32, #tpu.memory_space<vmem>>, vector<1x16xf32>,
        %parallel_loop3A_282 = vector.shape_cast %parallel_loop3A_281 : vector<1x16xf32> to vector<16xf32>
        %parallel_loop3A_283 = arith.constant 64 : i32
        %parallel_loop3A_284 = arith.muli %parallel_loop3A_227, %parallel_loop3A_283 : i32
        %parallel_loop3A_285 = arith.constant 48 : i32
        %parallel_loop3A_286 = arith.addi %parallel_loop3A_284, %parallel_loop3A_285 : i32
        %parallel_loop3A_287 = arith.index_cast %parallel_loop3A_286 : i32 to index
        %parallel_loop3A_288 = tpu.vector_load %arg14[%parallel_loop3A_287] {strides = array<i32>} : memref<12800xf32, #tpu.memory_space<vmem>>, vector<16xf32>,
        %parallel_loop3A_289 = vector.shape_cast %parallel_loop3A_288 : vector<16xf32> to vector<16xf32>
        %parallel_loop3A_290 = arith.addf %parallel_loop3A_282, %parallel_loop3A_289 : vector<16xf32>
        %parallel_loop3A_291 = arith.index_cast %parallel_loop3A_227 : i32 to index
        %parallel_loop3A_292 = arith.constant 48 : index
        %parallel_loop3A_293 = tpu.vector_load %arg13[%parallel_loop3A_291, %parallel_loop3A_292] {strides = array<i32>} : memref<200x64xf32, #tpu.memory_space<vmem>>, vector<1x16xf32>,
        %parallel_loop3A_294 = vector.shape_cast %parallel_loop3A_293 : vector<1x16xf32> to vector<16xf32>
        %parallel_loop3A_295 = vector.shape_cast %parallel_loop3A_290 : vector<16xf32> to vector<1x16xf32>
        tpu.vector_store %arg13[%parallel_loop3A_291, %parallel_loop3A_292], %parallel_loop3A_295 {strides = array<i32>} : memref<200x64xf32, #tpu.memory_space<vmem>>, vector<1x16xf32>,
      } {sc.loop_unroll_factor = 8 : i64, sc.parallel_access}
      %add3A_218 = arith.addi %mul3A_2, %add3A_190 : i32
      %dma_start3A_219 = arith.constant 0 : i32
      %dma_start3A_220 = arith.constant 0 : i32
      %dma_start3A_221 = tpu.memref_slice %arg5[%add3A_218, %dma_start3A_219, %dma_start3A_220] : memref<1024x200x64xf32, #tpu.memory_space<hbm>> -> memref<1x200x64xf32, #tpu.memory_space<hbm>>
      %dma_start3A_222 = tpu.memref_squeeze %dma_start3A_221 : memref<1x200x64xf32, #tpu.memory_space<hbm>> -> memref<200x64xf32, #tpu.memory_space<hbm>>
      %dma_start3A_223 = arith.constant 0 : i32
      %dma_start3A_224 = arith.constant 0 : i32
      %dma_start3A_225 = tpu.memref_slice %arg5[%add3A_218, %dma_start3A_223, %dma_start3A_224] : memref<1024x200x64xf32, #tpu.memory_space<hbm>> -> memref<1x200x64xf32, #tpu.memory_space<hbm>>
      %dma_start3A_226 = tpu.memref_squeeze %dma_start3A_225 : memref<1x200x64xf32, #tpu.memory_space<hbm>> -> memref<200x64xf32, #tpu.memory_space<hbm>>
      tpu.enqueue_dma source(%arg13 : memref<200x64xf32, #tpu.memory_space<vmem>>) target(%dma_start3A_226 : memref<200x64xf32, #tpu.memory_space<hbm>>) target_semaphore(%arg22 : memref<!tpu.dma_semaphore, #tpu.memory_space<semaphore_mem>>)
    }
    %scan3A_58 = arith.constant 8 : i32
    %dma_wait3A_59 = arith.constant 0 : i32
    %dma_wait3A_60 = arith.constant 0 : i32
    %dma_wait3A_61 = tpu.memref_slice %arg5[%mul3A_2, %dma_wait3A_59, %dma_wait3A_60] : memref<1024x200x64xf32, #tpu.memory_space<hbm>> -> memref<1x200x64xf32, #tpu.memory_space<hbm>>
    %dma_wait3A_62 = tpu.memref_squeeze %dma_wait3A_61 : memref<1x200x64xf32, #tpu.memory_space<hbm>> -> memref<200x64xf32, #tpu.memory_space<hbm>>
    %dma_wait3A_63 = arith.constant 0 : i32
    %dma_wait3A_64 = arith.constant 0 : i32
    %dma_wait3A_65 = tpu.memref_slice %arg5[%mul3A_2, %dma_wait3A_63, %dma_wait3A_64] : memref<1024x200x64xf32, #tpu.memory_space<hbm>> -> memref<1x200x64xf32, #tpu.memory_space<hbm>>
    %dma_wait3A_66 = tpu.memref_squeeze %dma_wait3A_65 : memref<1x200x64xf32, #tpu.memory_space<hbm>> -> memref<200x64xf32, #tpu.memory_space<hbm>>
    tpu.wait_dma2 semaphore(%arg21 : memref<!tpu.dma_semaphore, #tpu.memory_space<semaphore_mem>>) src(%arg12 : memref<200x64xf32, #tpu.memory_space<vmem>>) dst(%dma_wait3A_66 : memref<200x64xf32, #tpu.memory_space<hbm>>)
    %dma_wait3A_67 = arith.constant 0 : i32
    %dma_wait3A_68 = arith.constant 0 : i32
    %dma_wait3A_69 = tpu.memref_slice %arg5[%mul3A_2, %dma_wait3A_67, %dma_wait3A_68] : memref<1024x200x64xf32, #tpu.memory_space<hbm>> -> memref<1x200x64xf32, #tpu.memory_space<hbm>>
    %dma_wait3A_70 = tpu.memref_squeeze %dma_wait3A_69 : memref<1x200x64xf32, #tpu.memory_space<hbm>> -> memref<200x64xf32, #tpu.memory_space<hbm>>
    %dma_wait3A_71 = arith.constant 0 : i32
    %dma_wait3A_72 = arith.constant 0 : i32
    %dma_wait3A_73 = tpu.memref_slice %arg5[%mul3A_2, %dma_wait3A_71, %dma_wait3A_72] : memref<1024x200x64xf32, #tpu.memory_space<hbm>> -> memref<1x200x64xf32, #tpu.memory_space<hbm>>
    %dma_wait3A_74 = tpu.memref_squeeze %dma_wait3A_73 : memref<1x200x64xf32, #tpu.memory_space<hbm>> -> memref<200x64xf32, #tpu.memory_space<hbm>>
    tpu.wait_dma2 semaphore(%arg22 : memref<!tpu.dma_semaphore, #tpu.memory_space<semaphore_mem>>) src(%arg13 : memref<200x64xf32, #tpu.memory_space<vmem>>) dst(%dma_wait3A_74 : memref<200x64xf32, #tpu.memory_space<hbm>>)
    return
  }
}

</mosaic_0001>

<sc_bundles>
// kernel: kernel.3.cloned.1.call-start
scs
__scs_entry_jumppad:
0x0: {  	(pc) =	sbr.rel $0x88, $3  }
0x1: {  	(tag) =	ssettag $0x0;
	lr =	simm.s32 $0x1  }
0x2: {  	[smem:$0x3F9E] =	sst lr;
	_ =	strace $0xD0000000  }
0x3: {  	_ = 	snop  }
0x4: {  	_ = 	snop  }
0x5: {  	_ = 	snop  }
0x6: {  	_ = 	snop  }
0x7: {  	_ = 	snop  }
__scs_overlays_trampoline_lowered:
0x8: {  	[smem:$0x3FAD] =	sst s0  }
0x9: {  	[smem:$0x3FAE] =	sst s1  }
0xa: {  	[smem:$0x3FAF] =	sst s2  }
0xb: {  	[smem:$0x3FB0] =	sst s3  }
0xc: {  	[smem:$0x3FB1] =	sst s4  }
0xd: {  	[smem:$0x3FB2] =	sst s5  }
0xe: {  	[smem:$0x3FB3] =	sst s6  }
0xf: {  	[smem:$0x3FB4] =	sst s7  }
0x10: {  	[smem:$0x3FB5] =	sst s8  }
0x11: {  	[smem:$0x3FB6] =	sst s9;
	s0 =	simm.s32 @!p0 $0x0  }
0x12: {  	s1 =	sld [smem:$0x3F9C];
	s0 =	simm.s32 @p0 $0x1  }
0x13: {  	[smem:$0x3FB7] =	sst s0;
	s0 =	simm.s32 @!p1 $0x0  }
0x14: {  	s2 =	sld [smem:$0x3F9B];
	s0 =	simm.s32 @p1 $0x1  }
0x15: {  	[smem:$0x3FB8] =	sst s0;
	s0 =	simm.s32 @!p2 $0x0  }
0x16: {  	s3 =	sld [smem:$0x3FDB];
	s0 =	simm.s32 @p2 $0x1  }
0x17: {  	s4 =	simm.s32 $0x1BF5;
	[smem:$0x3FBA] =	sst s0  }
0x18: {  	s0 =	sld [smem:$0x3F9D];
	_ =	swait.ge [sflag:s4], $0x0  }
0x19: {  	s7 =	sld [smem:$0x3F9E]  }
0x1a: {  	s8 =	sadd.s32 $0xFFFFE003, lr  }
0x1b: {  	s9 =	sadd.s32 $0xFFFFFEF7, lr;
	s5 =	simm.s32 $0xFFFFFFFF;
	p2 =	slt.u32 s8, $0xFFFFF086  }
0x1c: {  	p1 =	slt.u32 s9, $0xF7A;
	s5 =	simm.s32 @!p2 $0x0  }
0x1d: {  	s5 =	simm.s32 @p1 $0x1;
	p0 =	seq.s32 s7, s2  }
0x1e: {  	s7 =	smul.u32 @!p0 $0xF7A, s2;
	p2 =	seq.s32 @!p0 s5, $0x0  }
0x1f: {  	s9 =	smul.u32 $0xF7A, s1;
	s8 =	simm.s32 @!p0 $0x1BF5;
	p2 =	por !p2, p0  }
0x20: {  	[sflag:s8] =	ssyncset.s32 @!p0 $0xFFFFF086;
	s6 =	sadd.s32 @!p0 s3, s7;
	s7 =	simm.s32 @!p0 $0x108  }
0x21: {  	s3 =	sadd.s32 s3, s9;
	s6 =	sadd.s32 @!p0 $0x88, s6;
	s7 =	simm.s32 @p2 $0x1082  }
0x22: {  	[simem:s7], [sflag:s8] =	dma.local @!p0 [hbm:s6], $0xF7A  }
0x23: {  	s9 =	sor.u32 $0xD0000000, s2;
	s6 =	simm.s32 $0x108;
	_ =	swait.ge @!p0 [sflag:s8], $0x0  }
0x24: {  	s3 =	sadd.s32 $0x88, s3;
	s6 =	simm.s32 @!p1 $0x1082;
	[sflag:s4] =	ssyncset.s32 $0xFFFFF086  }
0x25: {  	[simem:s6], [sflag:s4] =	dma.local [hbm:s3], $0xF7A  }
0x26: {  	[smem:$0x3F9E] =	sst s1;
	(tag) =	ssettag s2;
	_ =	strace s9  }
0x27: {  	s1 =	sld [smem:$0x3FAE]  }
0x28: {  	s2 =	sld [smem:$0x3FAF]  }
0x29: {  	s4 =	sld [smem:$0x3FB1]  }
0x2a: {  	p0 =	seq.s32 s5, $0x0;
	s5 =	sld [smem:$0x3FB2]  }
0x2b: {  	s6 =	sld [smem:$0x3FB3]  }
0x2c: {  	s7 =	sld [smem:$0x3FB4]  }
0x2d: {  	s3 =	simm.s32 $0x108;
	s8 =	sld [smem:$0x3FB5]  }
0x2e: {  	s3 =	simm.s32 @!p0 $0x1082;
	s9 =	sld [smem:$0x3FB6]  }
0x2f: {  	lr =	sadd.s32 s0, s3;
	s0 =	sld [smem:$0x3FAD]  }
0x30: {  	s3 =	sld [smem:$0x3FB0]  }
0x31: {  	[smem:$0x3FB9] =	sst s10  }
0x32: {  	s10 =	sld [smem:$0x3FB7];
	_ =	sdelay $0x3  }
0x33: {  	p0 =	seq.s32 s10, $0x1;
	s10 =	sld [smem:$0x3FB9];
	_ =	sdelay $0x3  }
0x34: {  	[smem:$0x3FB9] =	sst s10  }
0x35: {  	s10 =	sld [smem:$0x3FB8];
	_ =	sdelay $0x3  }
0x36: {  	p1 =	seq.s32 s10, $0x1;
	s10 =	sld [smem:$0x3FB9];
	_ =	sdelay $0x3  }
0x37: {  	[smem:$0x3FB9] =	sst s10  }
0x38: {  	s10 =	sld [smem:$0x3FBA]  }
0x39: {  	_ = 	snop;
	(pc) =	sbr.ind lr, $3  }
0x3a: {  	_ = 	snop  }
0x3b: {  	_ = 	snop  }
0x3c: {  	p2 =	seq.s32 s10, $0x1;
	s10 =	sld [smem:$0x3FB9]  }
0x3d: {  	_ =	shalt  }
0x3e: {  	_ =	shalt  }
0x3f: {  	_ =	shalt  }
0x40: {  	_ =	shalt  }
0x41: {  	_ =	shalt  }
0x42: {  	_ =	shalt  }
0x43: {  	_ =	shalt  }
0x44: {  	_ =	shalt  }
0x45: {  	_ =	shalt  }
0x46: {  	_ =	shalt  }
0x47: {  	_ =	shalt  }
0x48: {  	_ =	shalt  }
0x49: {  	_ =	shalt  }
0x4a: {  	_ =	shalt  }
0x4b: {  	_ =	shalt  }
0x4c: {  	_ =	shalt  }
0x4d: {  	_ =	shalt  }
0x4e: {  	_ =	shalt  }
0x4f: {  	_ =	shalt  }
0x50: {  	_ =	shalt  }
0x51: {  	_ =	shalt  }
0x52: {  	_ =	shalt  }
0x53: {  	_ =	shalt  }
0x54: {  	_ =	shalt  }
0x55: {  	_ =	shalt  }
0x56: {  	_ =	shalt  }
0x57: {  	_ =	shalt  }
0x58: {  	_ =	shalt  }
0x59: {  	_ =	shalt  }
0x5a: {  	_ =	shalt  }
0x5b: {  	_ =	shalt  }
0x5c: {  	_ =	shalt  }
0x5d: {  	_ =	shalt  }
0x5e: {  	_ =	shalt  }
0x5f: {  	_ =	shalt  }
0x60: {  	_ =	shalt  }
0x61: {  	_ =	shalt  }
0x62: {  	_ =	shalt  }
0x63: {  	_ =	shalt  }
0x64: {  	_ =	shalt  }
0x65: {  	_ =	shalt  }
0x66: {  	_ =	shalt  }
0x67: {  	_ =	shalt  }
0x68: {  	_ =	shalt  }
0x69: {  	_ =	shalt  }
0x6a: {  	_ =	shalt  }
0x6b: {  	_ =	shalt  }
0x6c: {  	_ =	shalt  }
0x6d: {  	_ =	shalt  }
0x6e: {  	_ =	shalt  }
0x6f: {  	_ =	shalt  }
0x70: {  	_ =	shalt  }
0x71: {  	_ =	shalt  }
0x72: {  	_ =	shalt  }
0x73: {  	_ =	shalt  }
0x74: {  	_ =	shalt  }
0x75: {  	_ =	shalt  }
0x76: {  	_ =	shalt  }
0x77: {  	_ =	shalt  }
0x78: {  	_ =	shalt  }
0x79: {  	_ =	shalt  }
0x7a: {  	_ =	shalt  }
0x7b: {  	_ =	shalt  }
0x7c: {  	_ =	shalt  }
0x7d: {  	_ =	shalt  }
0x7e: {  	_ =	shalt  }
0x7f: {  	_ =	shalt  }
0x80: {  	_ =	shalt  }
0x81: {  	_ =	shalt  }
0x82: {  	_ =	shalt  }
0x83: {  	_ =	shalt  }
0x84: {  	_ =	shalt  }
0x85: {  	_ =	shalt  }
0x86: {  	_ =	shalt  }
0x87: {  	_ =	shalt  }
.Lfunc_end0:
.L_simem_size_0:
called_computation_lowered:
.L_overlay_start_0:
0x88: {  	s2 =	sld [smem:$0x3FD9]  }
0x89: {  	s3 =	sld [smem:$0x3FFE];
	_ =	sdelay $0x1  }
0x8a: {  	s1 =	srdreg.scid  }
0x8b: {  	s0 =	sand.u32 $0x1, s1  }
0x8c: {  	s17 =	sshll.u32 s0, $0xA;
	s2 =	sadd.s32 s3, s2  }
0x8d: {  	s2 =	sadd.s32 s2, s17  }
0x8e: {  	[smem:$0x3FC5] =	sst s2  }
0x8f: {  	_ = 	snop  }
0x90: {  	s2 =	sld [smem:$0x3FD0];
	(tm) =	ssettm $0x1  }
0x91: {  	s18 =	sld [smem:$0x3FFB];
	_ =	sdelay $0x3  }
0x92: {  	_ =	strace s18  }
0x93: {  	s3 =	sld [smem:$0x3FFC];
	_ =	sdelay $0x3  }
0x94: {  	_ =	strace s3  }
0x95: {  	s3 =	sld [smem:$0x3FFD];
	_ =	sdelay $0x3  }
0x96: {  	_ =	strace s3  }
0x97: {  	_ =	strace $0x8FFFFFFF  }
0x98: {  	s19 =	sld [smem:$0x3FDB];
	_ =	sdelay $0x1  }
0x99: {  	s4 =	simm.s32 $_scs_section_size  }
0x9a: {  	s5 =	simm.s32 $_size__tile_overlayer_lowered;
	s6 =	simm.s32 $_tile_overlayer_lowered  }
0x9b: {  	s22 =	simm.s32 $0x1BFF;
	s21 =	sshll.u32 s6, $0x1;
	s3 =	sadd.s32 s4, s19  }
0x9c: {  	s7 =	simm.s32 $0x0;
	s20 =	sshll.u32 s5, $0x1;
	s5 =	sadd.s32 s21, s3  }
0x9d: {  	[timem:s7], [sflag:s22] =	dma.local [hbm:s5], s20  }
0x9e: {  	_ =	swait.ge [sflag:s22], s20  }
0x9f: {  	s4 =	ssub.s32 $0x0, s20;
	[sflag:s22] =	ssyncset.done $0x0  }
0xa0: {  	[sflag:s22] =	ssyncadd.s32 s4;
	_ =	sdelay $0x1  }
0xa1: {  	s23 =	simm.s32 $0x1B8B  }
0xa2: {  	_ =	swait.ge [sflag:s23], $0x1  }
0xa3: {  	[sflag:s23] =	ssyncset.done $0x0  }
0xa4: {  	s25 =	simm.s32 $0x1B8E;
	s24 =	sld [smem:$0x3FFE];
	[sflag:s23] =	ssyncadd.s32 $0xFFFFFFFF  }
0xa5: {  	s26 =	simm.s32 $execute0_lowered;
	[smem:$0x3FD2] =	sst s25  }
0xa6: {  	s5 =	sshll.u32 s26, $0x1;
	_ =	strace $0x80000046;
	[dreg:$0x1] =	wrdreg $0xFFFFFFFF  }
0xa7: {  	s28 =	simm.s32 $_size_execute0_lowered;
	s3 =	sadd.s32 s3, s5;
	[dreg:$0x0] =	wrdreg $0x0  }
0xa8: {  	s5 =	sshll.u32 s28, $0x1;
	[dreg:$0x2] =	wrdreg s3  }
0xa9: {  	[dreg:$0x3] =	wrdreg s5  }
0xaa: {  	[dreg:$0x4] =	wrdreg $0xC0  }
0xab: {  	_ =	task [dreg:s7], $0x5FFFF  }
0xac: {  	[dreg:$0x1] =	wrdreg $0xFFFFFFFF  }
0xad: {  	[dreg:$0x0] =	wrdreg $0x60  }
0xae: {  	[dreg:$0x2] =	wrdreg s2  }
0xaf: {  	[dreg:$0x3] =	wrdreg s24  }
0xb0: {  	[dreg:$0x4] =	wrdreg $0x9  }
0xb1: {  	_ =	task.clear_ibuf [dreg:s7], $0x5FFFF;
	_ =	strace $0x90000046  }
0xb2: {  	s29 =	simm.s32 $0x9;
	_ =	strace $0x80000048  }
0xb3: {  	_ =	swait.ge [sflag:s29], $0x1  }
0xb4: {  	[sflag:s29] =	ssyncadd.s32 $0xFFFFFFFF  }
0xb5: {  	_ =	strace $0x90000048  }
0xb6: {  	_ =	sfence  }
0xb7: {  	s30 =	sld [smem:$0x0];
	_ =	sdelay $0x2  }
0xb8: {  	s31 =	sshll.u32 s1, $0xD;
	s1 =	sshrl.u32 s1, $0x2  }
0xb9: {  	s3 =	sand.u32 $0x4000, s31;
	s1 =	sadd.s32 s1, s30  }
0xba: {  	s0 =	sor.u32 s3, s0;
	s1 =	sshll.u32 s1, $0x11  }
0xbb: {  	s0 =	sor.u32 s1, s0  }
0xbc: {  	s0 =	sadd.s32 $0x8F2B, s0  }
0xbd: {  	[sflag:s0] =	ssyncadd.remote.s32 $0x1  }
0xbe: {  	_ =	sfence.sel $0xFFFF  }
0xbf: {  	[dreg:$0x0] =	wrdreg $0xFFFFFFFF;
	(pc) =	sbr.abs _section_cstart, $3  }
0xc0: {  	[dreg:$0x1] =	wrdreg $0xFFFFFFFF  }
0xc1: {  	_ =	task.clear_ibuf [dreg:s7], $0x2FFFF;
	_ =	strace $0x9FFFFFFF  }
0xc2: {  	(tm) =	ssettm $0x7FFFFFFF  }
0xc3: {  	_ =	shalt  }
tec
execute0_lowered:
.L_overlay_start_1:
0x0: {  	(tag) =	ssettag $0x1  }
0x1: {  	s1 =	rddreg [dreg:$0x0]  }
0x2: {  	s0 =	rddreg [dreg:$0x1];
	s3 =	simm.s32 $0x0  }
0x3: {  	s2 =	srdreg.scid;
	s4 =	stileid.u32;
	s20 =	simm.s32 $0x68  }
0x4: {  	s31 =	simm.s32 $0x6800;
	s2 =	sand.u32 $0x1, s2;
	s4 =	sshll.u32 s4, $0x1  }
0x5: {  	[smem:$0x7FF] =	sst s3;
	s6 =	sadd.s32 $0xF42C00, s0;
	s5 =	sor.u32 s2, s4  }
0x6: {  	_ =	strace $0x80000047;
	s2 =	ssub.s32 $0x2, s2;
	s8 =	smul.u32 $0x320, s5  }
0x7: {  	s4 =	sadd.s32 $0xF46C00, s0;
	[dreg:$0x3] =	wrdreg s6;
	s22 =	sshrl.u32 s2, $0x1  }
0x8: {  	s6 =	sadd.s32 $0x800, s0;
	s0 =	ssub.s32 s2, s22;
	s9 =	sadd.s32 s1, s8  }
0x9: {  	s30 =	simm.s32 $0x5;
	s0 =	smax.u32 s0, $0x1;
	[dreg:$0x4] =	wrdreg s9  }
0xa: {  	s8 =	sshll.u32 s5, $0x5;
	s24 =	sadd.s32 $0x19, s9;
	[dreg:$0xa] =	wrdreg s0  }
0xb: {  	s7 =	smul.u32 $0x1900, s5;
	s25 =	sor.u32 $0x4, s8;
	[dreg:$0x5] =	wrdreg s24  }
0xc: {  	s17 =	simm.s32 $0x8;
	s26 =	sor.u32 $0x5, s8;
	[dreg:$0x7] =	wrdreg s25  }
0xd: {  	s7 =	sshrl.u32 s7, $0x3;
	s28 =	sor.u32 $0x6, s8;
	[dreg:$0x8] =	wrdreg s26  }
0xe: {  	s23 =	sadd.s32 s1, s7;
	s29 =	sor.u32 $0x3, s8;
	[dreg:$0x9] =	wrdreg s28  }
0xf: {  	s22 =	simm.s32 $0x60;
	s2 =	sadd.s32 $0x32, s23;
	[dreg:$0xb] =	wrdreg s29  }
0x10: {  	s7 =	simm.s32 $0x7;
	[dreg:$0x6] =	wrdreg s2;
	s2 =	simm.s32 $0x0  }
.LBB2_1:
0x11: {  	[dreg:$0xc] =	wrdreg s2  }
0x12: {  	s0 =	rddreg [dreg:$0x3];
	s16 =	simm.s32 $0x19400;
	s18 =	simm.s32 $0x9  }
0x13: {  	[tilespmem:s16], [sflag:$0x9] =	stream.linear.gather [hbm4b:s0+s3], $0x3200, $0x38;
	[tilespmem:$0x1C600] =	vst v63  }
0x14: {  	_ =	swait.ge [sflag:s18], $0x3200  }
0x15: {  	[sflag:s18] =	ssyncset.done $0x0  }
0x16: {  	s19 =	rddreg [dreg:$0x4];
	[sflag:s18] =	ssyncadd.s32 $0xFFFFCE00  }
0x17: {  	[tilespmem:s3], [sflag:$0x1] =	stream.linear.gather [hbm4b:s19+s3], $0xC8, $0x38;
	[tilespmem:$0x1C600] =	vst v63  }
0x18: {  	s23 =	simm.s32 $0x100;
	s24 =	simm.s32 $0x1;
	s21 =	rddreg [dreg:$0x5]  }
0x19: {  	[tilespmem:s23], [sflag:$0x2] =	stream.linear.gather [hbm4b:s21+s3], $0xC8, $0x38;
	[tilespmem:$0x1C600] =	vst v63  }
0x1a: {  	_ =	swait.ge [sflag:s24], $0xC8  }
0x1b: {  	[sflag:s24] =	ssyncset.done $0x0  }
0x1c: {  	s25 =	simm.s32 $0x400;
	[sflag:s24] =	ssyncadd.s32 $0xFFFFFF38  }
0x1d: {  	[tilespmem:s25], [sflag:$0x5] =	stream.indirect.gather [hbm4b:s4+s20], $0x80, s3, s20, $0xb8;
	[tilespmem:$0x1C600] =	vst v63  }
0x1e: {  	s26 =	simm.s32 $0x3800  }
0x1f: {  	[tilespmem:s26], [sflag:$0x5] =	stream.indirect.gather [hbm4b:s4+s22], $0x80, s20, s22, $0xb8;
	[tilespmem:$0x1C600] =	vst v63  }
0x20: {  	s29 =	simm.s32 $0x200;
	s19 =	simm.s32 $0x0;
	s28 =	rddreg [dreg:$0x6]  }
0x21: {  	[tilespmem:s29], [sflag:$0x3] =	stream.linear.gather [hbm4b:s28+s3], $0xC8, $0x38;
	[tilespmem:$0x1C600] =	vst v63  }
.LBB2_2:
0x22: {  	s0 =	simm.s32 $0x2  }
0x23: {  	_ =	swait.ge [sflag:s0], $0xC8  }
0x24: {  	s25 =	simm.s32 $0x100;
	[sflag:s0] =	ssyncset.done $0x0  }
0x25: {  	s16 =	sshll.u32 s19, $0x2;
	s29 =	rddreg [dreg:$0xb];
	[sflag:s0] =	ssyncadd.s32 $0xFFFFFF38  }
0x26: {  	[tilespmem:s31], [sflag:$0x6] =	stream.indirect.gather [hbm4b:s4+s20], $0x80, s25, s20, $0xb8;
	[tilespmem:$0x1C600] =	vst v63  }
0x27: {  	s26 =	simm.s32 $0x168;
	s2 =	simm.s32 $0x9C00;
	s28 =	sor.u32 s29, s16  }
0x28: {  	[tilespmem:s2], [sflag:$0x6] =	stream.indirect.gather [hbm4b:s4+s22], $0x80, s26, s22, $0xb8;
	[tilespmem:$0x1C600] =	vst v63  }
0x29: {  	s0 =	smul.u32 $0x19, s28;
	_ =	swait.ge [sflag:s30], $0x6400  }
0x2a: {  	p0 =	seq.s32 s19, $0x0;
	[sflag:s30] =	ssyncset.done $0x0  }
0x2b: {  	s31 =	simm.s32 $0x300;
	s0 =	sadd.s32 s1, s0;
	[sflag:s30] =	ssyncadd.s32 $0xFFFF9C00  }
0x2c: {  	[tilespmem:s31], [sflag:$0x4] =	stream.linear.gather [hbm4b:s0+s3], $0xC8, $0x38;
	[tilespmem:$0x1C600] =	vst v63  }
0x2d: {  	s0 =	simm.s32 @!p0 $0x7  }
0x2e: {  	_ =	swait.ge @!p0 [sflag:s0], $0x6400  }
0x2f: {  	[sflag:s0] =	ssyncset.done @!p0 $0x0  }
0x30: {  	s11 =	simm.s32 $0x600;
	[sflag:s0] =	ssyncadd.s32 @!p0 $0xFFFF9C00  }
0x31: {  	s21 =	simm.s32 $0x19500;
	v0 =	vld [tilespmem:s11+$0x180]  }
0x32: {  	v1 =	vld [tilespmem:s21+$0xC0];
	_ =	sdelay $0x3  }
0x33: {  	v2 =	vld [tilespmem:s11+$0xFFFFFE80]  }
0x34: {  	v3 =	vld [tilespmem:s21+$0xFFFFFF40];
	v0 =	vadd.f32 v1, v0  }
0x35: {  	s18 =	simm.s32 $0xCE00;
	v4 =	vld [tilespmem:s11+$0xFFFFFF80]  }
0x36: {  	s23 =	simm.s32 $0x1C0;
	v5 =	vld [tilespmem:s21+$0xFFFFFFC0];
	[tilespmem:s18+$0x180] =	vst v0  }
0x37: {  	s2 =	sor.u32 $0x50, s23;
	v0 =	vld [tilespmem:s11+$0x190]  }
0x38: {  	v1 =	vld [tilespmem:s2+$0x19400];
	_ =	sdelay $0x1  }
0x39: {  	v2 =	vadd.f32 v3, v2;
	_ =	sdelay $0x1  }
0x3a: {  	v6 =	vld [tilespmem:s11+$0x80];
	[tilespmem:s18+$0xFFFFFE80] =	vst v2;
	v2 =	vadd.f32 v5, v4  }
0x3b: {  	s9 =	simm.s32 $0x40;
	v0 =	vadd.f32 v1, v0;
	v1 =	vld [tilespmem:s21+$0x40]  }
0x3c: {  	s12 =	sor.u32 $0x50, s9;
	v4 =	vld [tilespmem:s11+$0xFFFFFE90];
	[tilespmem:s18+$0xFFFFFF80] =	vst v2  }
0x3d: {  	v2 =	vld [tilespmem:s12+$0x19400];
	[tilespmem:s18+$0x190] =	vst v0  }
0x3e: {  	s5 =	sor.u32 $0x60, s23;
	v0 =	vld [tilespmem:s11+$0x1A0]  }
0x3f: {  	v3 =	vld [tilespmem:s5+$0x19400]  }
0x40: {  	s10 =	simm.s32 $0xC0;
	v9 =	vld [tilespmem:s21+$0x0];
	v1 =	vadd.f32 v1, v6  }
0x41: {  	s13 =	sor.u32 $0x50, s10;
	v5 =	vld [tilespmem:s11+$0xFFFFFF90]  }
0x42: {  	s14 =	simm.s32 $0x140;
	v2 =	vadd.f32 v2, v4;
	[tilespmem:s18+$0x80] =	vst v1;
	v1 =	vld [tilespmem:s13+$0x19400]  }
0x43: {  	s15 =	sor.u32 $0x50, s14;
	v6 =	vld [tilespmem:s11+$0x90]  }
0x44: {  	s24 =	sor.u32 $0x60, s9;
	[tilespmem:s18+$0xFFFFFE90] =	vst v2;
	v7 =	vld [tilespmem:s15+$0x19400];
	v0 =	vadd.f32 v3, v0  }
0x45: {  	v2 =	vld [tilespmem:s24+$0x19400]  }
0x46: {  	s25 =	sor.u32 $0x70, s23;
	[tilespmem:s18+$0x1A0] =	vst v0;
	v0 =	vld [tilespmem:s11+$0xFFFFFEA0]  }
0x47: {  	v4 =	vld [tilespmem:s25+$0x19400]  }
0x48: {  	v1 =	vadd.f32 v1, v5;
	v5 =	vld [tilespmem:s21+$0xFFFFFF00]  }
0x49: {  	v3 =	vadd.f32 v7, v6;
	v6 =	vld [tilespmem:s11+$0xFFFFFE00]  }
0x4a: {  	s26 =	sor.u32 $0x60, s10;
	v7 =	vld [tilespmem:s21+$0xFFFFFF80];
	[tilespmem:s18+$0xFFFFFF90] =	vst v1  }
0x4b: {  	v1 =	vld [tilespmem:s26+$0x19400]  }
0x4c: {  	s29 =	sor.u32 $0x60, s14;
	[tilespmem:s18+$0x90] =	vst v3;
	v0 =	vadd.f32 v2, v0;
	v2 =	vld [tilespmem:s11+$0xFFFFFF00]  }
0x4d: {  	v3 =	vld [tilespmem:s29+$0x19400]  }
0x4e: {  	s9 =	sor.u32 $0x70, s9;
	[tilespmem:s18+$0xFFFFFEA0] =	vst v0;
	v0 =	vld [tilespmem:s11+$0x0]  }
0x4f: {  	v8 =	vld [tilespmem:s9+$0x19400];
	v5 =	vadd.f32 v5, v6  }
0x50: {  	v6 =	vld [tilespmem:s11+$0x100]  }
0x51: {  	v2 =	vadd.f32 v7, v2;
	v7 =	vld [tilespmem:s21+$0x80];
	[tilespmem:s18+$0xFFFFFE00] =	vst v5  }
0x52: {  	v5 =	vld [tilespmem:s11+$0xFFFFFE10]  }
0x53: {  	[tilespmem:s18+$0xFFFFFF00] =	vst v2;
	v2 =	vld [tilespmem:s21+$0xFFFFFF10]  }
0x54: {  	v0 =	vadd.f32 v9, v0;
	v57 =	vld [tilespmem:s11+$0xFFFFFF10]  }
0x55: {  	v10 =	vld [tilespmem:s21+$0xFFFFFF90]  }
0x56: {  	[tilespmem:s18+$0x0] =	vst v0;
	v0 =	vadd.f32 v7, v6;
	v6 =	vld [tilespmem:s11+$0x1B0]  }
0x57: {  	v7 =	vld [tilespmem:s11+$0x10]  }
0x58: {  	[tilespmem:s18+$0x100] =	vst v0;
	v0 =	vadd.f32 v2, v5;
	v2 =	vld [tilespmem:s21+$0x10]  }
0x59: {  	v5 =	vld [tilespmem:s11+$0x110]  }
0x5a: {  	v9 =	vadd.f32 v10, v57;
	[tilespmem:s18+$0xFFFFFE10] =	vst v0;
	v0 =	vld [tilespmem:s21+$0x90]  }
0x5b: {  	v58 =	vld [tilespmem:s11+$0xFFFFFE20]  }
0x5c: {  	[tilespmem:s18+$0xFFFFFF10] =	vst v9;
	v59 =	vld [tilespmem:s21+$0xFFFFFF20]  }
0x5d: {  	v11 =	vld [tilespmem:s21+$0xFFFFFFA0];
	v2 =	vadd.f32 v2, v7  }
0x5e: {  	v7 =	vld [tilespmem:s11+$0xFFFFFF20]  }
0x5f: {  	[tilespmem:s18+$0x10] =	vst v2;
	v2 =	vld [tilespmem:s11+$0xFFFFFFA0]  }
0x60: {  	v0 =	vadd.f32 v0, v5;
	v5 =	vld [tilespmem:s11+$0x20]  }
0x61: {  	v12 =	vld [tilespmem:s21+$0x20]  }
0x62: {  	v9 =	vadd.f32 v59, v58;
	[tilespmem:s18+$0x110] =	vst v0;
	v0 =	vld [tilespmem:s11+$0xA0]  }
0x63: {  	v60 =	vld [tilespmem:s11+$0x120]  }
0x64: {  	[tilespmem:s18+$0xFFFFFE20] =	vst v9;
	v61 =	vld [tilespmem:s21+$0xA0]  }
0x65: {  	v7 =	vadd.f32 v11, v7;
	v62 =	vld [tilespmem:s11+$0xFFFFFE30]  }
0x66: {  	v13 =	vld [tilespmem:s21+$0xFFFFFF30]  }
0x67: {  	[tilespmem:s18+$0xFFFFFF20] =	vst v7;
	v1 =	vadd.f32 v1, v2;
	v7 =	vld [tilespmem:s11+$0xFFFFFEB0]  }
0x68: {  	v14 =	vld [tilespmem:s11+$0xFFFFFF30]  }
0x69: {  	[tilespmem:s18+$0xFFFFFFA0] =	vst v1;
	v1 =	vadd.f32 v12, v5;
	v5 =	vld [tilespmem:s21+$0xFFFFFFB0]  }
0x6a: {  	s0 =	sor.u32 $0x70, s10;
	v2 =	vadd.f32 v4, v6;
	v6 =	vld [tilespmem:s11+$0xFFFFFFB0]  }
0x6b: {  	v63 =	vld [tilespmem:s0+$0x19400];
	[tilespmem:s18+$0x20] =	vst v1;
	v1 =	vadd.f32 v3, v0  }
0x6c: {  	[tilespmem:s18+$0x1B0] =	vst v2;
	v3 =	vadd.f32 v61, v60;
	v0 =	vld [tilespmem:s11+$0x30]  }
0x6d: {  	v4 =	vadd.f32 v13, v62;
	v2 =	vld [tilespmem:s21+$0x30];
	[tilespmem:s18+$0xA0] =	vst v1  }
0x6e: {  	s31 =	sor.u32 $0x70, s14;
	[tilespmem:s18+$0x120] =	vst v3;
	v3 =	vadd.f32 v8, v7;
	v1 =	vld [tilespmem:s11+$0xB0]  }
0x6f: {  	[tilespmem:s18+$0xFFFFFE30] =	vst v4;
	v5 =	vadd.f32 v5, v14;
	v4 =	vld [tilespmem:s31+$0x19400]  }
0x70: {  	[tilespmem:s18+$0xFFFFFEB0] =	vst v3;
	v3 =	vld [tilespmem:s11+$0x130];
	v6 =	vadd.f32 v63, v6  }
0x71: {  	s14 =	sor.u32 $0x1, s16;
	s24 =	simm.s32 $0x0;
	s11 =	simm.s32 $0xA00;
	[tilespmem:s18+$0xFFFFFF30] =	vst v5;
	v5 =	vld [tilespmem:s21+$0xB0]  }
.LBB2_3:
0x72: {  	v7 =	vld [tilespmem:s11+$0x180];
	[tilespmem:s18+$0xFFFFFFB0] =	vst v6;
	v0 =	vadd.f32 v2, v0;
	s21 =	sadd.s32 $0x200, s21  }
0x73: {  	v2 =	vld [tilespmem:s21+$0xC0]  }
0x74: {  	v6 =	vld [tilespmem:s21+$0xFFFFFF00];
	[tilespmem:s18+$0x30] =	vst v0;
	v0 =	vadd.f32 v4, v1  }
0x75: {  	v1 =	vld [tilespmem:s11+$0xFFFFFE80]  }
0x76: {  	s24 =	sadd.s32 $0x8, s24;
	v4 =	vld [tilespmem:s21+$0xFFFFFF40];
	[tilespmem:s18+$0xB0] =	vst v0;
	v0 =	vadd.f32 v5, v3  }
0x77: {  	p0 =	slt.u32 s24, $0xC0;
	v3 =	vld [tilespmem:s11+$0xFFFFFF00]  }
0x78: {  	v5 =	vld [tilespmem:s21+$0xFFFFFF80];
	v2 =	vadd.f32 v2, v7;
	[tilespmem:s18+$0x130] =	vst v0  }
0x79: {  	s18 =	sadd.s32 $0x400, s18;
	v0 =	vld [tilespmem:s11+$0xFFFFFF80]  }
0x7a: {  	s23 =	sadd.s32 $0x200, s23;
	v7 =	vld [tilespmem:s21+$0xFFFFFFC0];
	[tilespmem:s18+$0x180] =	vst v2  }
0x7b: {  	s12 =	sadd.s32 $0xFFFFFE80, s23;
	s13 =	sadd.s32 $0xFFFFFF00, s23;
	s0 =	sor.u32 $0x50, s23;
	v1 =	vadd.f32 v4, v1;
	v2 =	vld [tilespmem:s11+$0x190]  }
0x7c: {  	s2 =	sadd.s32 $0xFFFFFF80, s23;
	s25 =	sor.u32 $0x50, s12;
	s9 =	sor.u32 $0x50, s13;
	v4 =	vld [tilespmem:s0+$0x19400]  }
0x7d: {  	s31 =	sor.u32 $0x60, s12;
	s29 =	sor.u32 $0x60, s13;
	s0 =	sor.u32 $0x50, s2;
	[tilespmem:s18+$0xFFFFFE80] =	vst v1;
	v1 =	vadd.f32 v5, v3;
	v3 =	vld [tilespmem:s11+$0x0]  }
0x7e: {  	s15 =	sor.u32 $0x70, s12;
	s13 =	sor.u32 $0x70, s13;
	s26 =	sor.u32 $0x60, s2;
	v5 =	vld [tilespmem:s21+$0x0]  }
0x7f: {  	s12 =	sor.u32 $0x70, s2;
	[tilespmem:s18+$0xFFFFFF00] =	vst v1;
	v0 =	vadd.f32 v7, v0;
	v1 =	vld [tilespmem:s11+$0x80]  }
0x80: {  	v7 =	vld [tilespmem:s21+$0x40]  }
0x81: {  	[tilespmem:s18+$0xFFFFFF80] =	vst v0;
	v0 =	vld [tilespmem:s11+$0x100];
	v2 =	vadd.f32 v4, v2  }
0x82: {  	v4 =	vld [tilespmem:s21+$0x80]  }
0x83: {  	v8 =	vld [tilespmem:s11+$0xFFFFFE00];
	v3 =	vadd.f32 v5, v3;
	[tilespmem:s18+$0x190] =	vst v2  }
0x84: {  	s2 =	sor.u32 $0x60, s23;
	v2 =	vld [tilespmem:s11+$0x1A0]  }
0x85: {  	[tilespmem:s18+$0x0] =	vst v3;
	v1 =	vadd.f32 v7, v1;
	v3 =	vld [tilespmem:s2+$0x19400]  }
0x86: {  	v5 =	vld [tilespmem:s11+$0xFFFFFE90]  }
0x87: {  	v7 =	vld [tilespmem:s25+$0x19400];
	[tilespmem:s18+$0x80] =	vst v1;
	v0 =	vadd.f32 v4, v0  }
0x88: {  	v1 =	vadd.f32 v6, v8;
	v4 =	vld [tilespmem:s11+$0xFFFFFF10]  }
0x89: {  	v6 =	vld [tilespmem:s21+$0xFFFFFF90];
	[tilespmem:s18+$0x100] =	vst v0  }
0x8a: {  	[tilespmem:s18+$0xFFFFFE00] =	vst v1;
	v0 =	vld [tilespmem:s11+$0xFFFFFF90];
	v1 =	vadd.f32 v3, v2  }
0x8b: {  	v2 =	vld [tilespmem:s11+$0xFFFFFE10]  }
0x8c: {  	v3 =	vld [tilespmem:s21+$0xFFFFFF10];
	v5 =	vadd.f32 v7, v5;
	[tilespmem:s18+$0x1A0] =	vst v1  }
0x8d: {  	s2 =	sor.u32 $0x70, s23;
	v1 =	vld [tilespmem:s11+$0x1B0]  }
0x8e: {  	[tilespmem:s18+$0xFFFFFE90] =	vst v5;
	v4 =	vadd.f32 v6, v4;
	v5 =	vld [tilespmem:s2+$0x19400]  }
0x8f: {  	v6 =	vld [tilespmem:s9+$0x19400]  }
0x90: {  	[tilespmem:s18+$0xFFFFFF10] =	vst v4;
	v4 =	vld [tilespmem:s11+$0x10]  }
0x91: {  	v2 =	vadd.f32 v3, v2;
	v3 =	vld [tilespmem:s21+$0x10]  }
0x92: {  	v7 =	vld [tilespmem:s11+$0x90]  }
0x93: {  	[tilespmem:s18+$0xFFFFFE10] =	vst v2;
	v2 =	vld [tilespmem:s0+$0x19400];
	v1 =	vadd.f32 v5, v1  }
0x94: {  	v0 =	vadd.f32 v6, v0;
	v5 =	vld [tilespmem:s11+$0x110]  }
0x95: {  	v6 =	vld [tilespmem:s21+$0x90];
	[tilespmem:s18+$0x1B0] =	vst v1  }
0x96: {  	v1 =	vld [tilespmem:s11+$0xFFFFFE20];
	[tilespmem:s18+$0xFFFFFF90] =	vst v0;
	v0 =	vadd.f32 v3, v4  }
0x97: {  	v3 =	vld [tilespmem:s21+$0xFFFFFF20]  }
0x98: {  	v4 =	vld [tilespmem:s11+$0xFFFFFEA0];
	[tilespmem:s18+$0x10] =	vst v0;
	v0 =	vadd.f32 v2, v7  }
0x99: {  	v2 =	vld [tilespmem:s31+$0x19400]  }
0x9a: {  	v7 =	vld [tilespmem:s11+$0xFFFFFF20];
	[tilespmem:s18+$0x90] =	vst v0;
	v0 =	vadd.f32 v6, v5  }
0x9b: {  	v5 =	vld [tilespmem:s21+$0xFFFFFFA0]  }
0x9c: {  	v1 =	vadd.f32 v3, v1;
	v3 =	vld [tilespmem:s11+$0xFFFFFFA0];
	[tilespmem:s18+$0x110] =	vst v0  }
0x9d: {  	v0 =	vld [tilespmem:s29+$0x19400]  }
0x9e: {  	[tilespmem:s18+$0xFFFFFE20] =	vst v1;
	v1 =	vadd.f32 v2, v4;
	v2 =	vld [tilespmem:s11+$0x20]  }
0x9f: {  	v4 =	vld [tilespmem:s21+$0x20]  }
0xa0: {  	[tilespmem:s18+$0xFFFFFEA0] =	vst v1;
	v1 =	vadd.f32 v5, v7;
	v5 =	vld [tilespmem:s11+$0xA0]  }
0xa1: {  	v6 =	vld [tilespmem:s26+$0x19400]  }
0xa2: {  	[tilespmem:s18+$0xFFFFFF20] =	vst v1;
	v0 =	vadd.f32 v0, v3;
	v1 =	vld [tilespmem:s11+$0x120]  }
0xa3: {  	v3 =	vld [tilespmem:s21+$0xA0]  }
0xa4: {  	v7 =	vld [tilespmem:s11+$0xFFFFFE30];
	[tilespmem:s18+$0xFFFFFFA0] =	vst v0;
	v0 =	vadd.f32 v4, v2  }
0xa5: {  	v2 =	vld [tilespmem:s21+$0xFFFFFF30]  }
0xa6: {  	v4 =	vld [tilespmem:s11+$0xFFFFFEB0];
	[tilespmem:s18+$0x20] =	vst v0;
	v0 =	vadd.f32 v6, v5  }
0xa7: {  	v5 =	vld [tilespmem:s15+$0x19400]  }
0xa8: {  	v6 =	vld [tilespmem:s11+$0xFFFFFF30];
	[tilespmem:s18+$0xA0] =	vst v0;
	v0 =	vadd.f32 v3, v1  }
0xa9: {  	v1 =	vld [tilespmem:s21+$0xFFFFFFB0]  }
0xaa: {  	v2 =	vadd.f32 v2, v7;
	v3 =	vld [tilespmem:s11+$0xFFFFFFB0];
	[tilespmem:s18+$0x120] =	vst v0  }
0xab: {  	v7 =	vld [tilespmem:s13+$0x19400]  }
0xac: {  	[tilespmem:s18+$0xFFFFFE30] =	vst v2;
	v4 =	vadd.f32 v5, v4;
	v0 =	vld [tilespmem:s11+$0x30]  }
.Ltmp0:
0xad: {  	v2 =	vld [tilespmem:s21+$0x30];
	(pc) =	sbr.rel @p0 .LBB2_3-.Ltmp0, $4  }
0xae: {  	[tilespmem:s18+$0xFFFFFEB0] =	vst v4;
	v5 =	vadd.f32 v1, v6;
	v1 =	vld [tilespmem:s11+$0xB0]  }
0xaf: {  	v4 =	vld [tilespmem:s12+$0x19400]  }
0xb0: {  	[tilespmem:s18+$0xFFFFFF30] =	vst v5;
	v6 =	vadd.f32 v7, v3;
	v3 =	vld [tilespmem:s11+$0x130]  }
0xb1: {  	s11 =	sadd.s32 $0x400, s11;
	v5 =	vld [tilespmem:s21+$0xB0]  }
0xb2: {  	_ =	sdelay $0x1  }
0xb3: {  	v0 =	vadd.f32 v2, v0  }
0xb4: {  	[tilespmem:s18+$0xFFFFFFB0] =	vst v6;
	s0 =	sadd.s32 s8, s16;
	v1 =	vadd.f32 v4, v1  }
0xb5: {  	s0 =	smul.u32 $0xC80, s0;
	[tilespmem:s18+$0x30] =	vst v0;
	v0 =	vadd.f32 v5, v3  }
0xb6: {  	[tilespmem:s18+$0xB0] =	vst v1  }
0xb7: {  	s2 =	simm.s32 $0xCC00;
	s21 =	simm.s32 $0x3;
	s0 =	sadd.s32 s6, s0;
	[tilespmem:s18+$0x130] =	vst v0  }
0xb8: {  	[hbm4b:s0+s3] =	stream.linear.scatter [tilespmem:s2], [sflag:$0x7], $0x6400, $0x38;
	[tilespmem:$0x1C600] =	vst v63  }
0xb9: {  	_ =	swait.ge [sflag:s21], $0xC8  }
0xba: {  	[sflag:s21] =	ssyncset.done $0x0  }
0xbb: {  	s23 =	simm.s32 $0x400;
	s24 =	simm.s32 $0x200;
	[sflag:s21] =	ssyncadd.s32 $0xFFFFFF38  }
0xbc: {  	[tilespmem:s23], [sflag:$0x5] =	stream.indirect.gather [hbm4b:s4+s20], $0x80, s24, s20, $0xb8;
	[tilespmem:$0x1C600] =	vst v63  }
0xbd: {  	s25 =	simm.s32 $0x3800;
	s26 =	simm.s32 $0x268;
	s29 =	simm.s32 $0x6  }
0xbe: {  	[tilespmem:s25], [sflag:$0x5] =	stream.indirect.gather [hbm4b:s4+s22], $0x80, s26, s22, $0xb8;
	[tilespmem:$0x1C600] =	vst v63  }
0xbf: {  	_ =	swait.ge [sflag:s29], $0x6400  }
0xc0: {  	p0 =	seq.s32 s19, $0x7;
	s0 =	rddreg [dreg:$0x7]  }
0xc1: {  	s0 =	sadd.s32 @!p0 s16, s0  }
0xc2: {  	p1 =	seq.s32 @!p0 s19, $0x0;
	s0 =	smul.u32 @!p0 $0x19, s0  }
0xc3: {  	p1 =	por p0, !p1;
	[sflag:s29] =	ssyncset.done $0x0  }
0xc4: {  	s2 =	simm.s32 @!p0 $0x0;
	[sflag:s29] =	ssyncadd.s32 $0xFFFF9C00;
	s0 =	sadd.s32 @!p0 s1, s0  }
0xc5: {  	[tilespmem:s2], [sflag:$0x1] =	stream.linear.gather @!p0 [hbm4b:s0+s2], $0xC8, $0x38;
	[tilespmem:$0x1C600] =	vst v63  }
0xc6: {  	_ =	swait.ge @p1 [sflag:s17], $0x6400  }
0xc7: {  	[sflag:s17] =	ssyncset.done @p1 $0x0  }
0xc8: {  	s11 =	simm.s32 $0x6A00;
	[sflag:s17] =	ssyncadd.s32 @p1 $0xFFFF9C00  }
0xc9: {  	s23 =	simm.s32 $0x19500;
	v0 =	vld [tilespmem:s11+$0x180]  }
0xca: {  	v1 =	vld [tilespmem:s23+$0xC0]  }
0xcb: {  	v2 =	vld [tilespmem:s23+$0xFFFFFF00]  }
0xcc: {  	v3 =	vld [tilespmem:s11+$0xFFFFFE80]  }
0xcd: {  	v4 =	vld [tilespmem:s23+$0xFFFFFF40]  }
0xce: {  	v5 =	vld [tilespmem:s11+$0xFFFFFF00]  }
0xcf: {  	v6 =	vld [tilespmem:s23+$0xFFFFFF80]  }
0xd0: {  	v7 =	vld [tilespmem:s23+$0xFFFFFFC0]  }
0xd1: {  	v9 =	vld [tilespmem:s11+$0x0]  }
0xd2: {  	v10 =	vld [tilespmem:s23+$0x0]  }
0xd3: {  	v11 =	vld [tilespmem:s11+$0x80]  }
0xd4: {  	v12 =	vld [tilespmem:s23+$0x40];
	v0 =	vadd.f32 v1, v0  }
0xd5: {  	s21 =	simm.s32 $0x13200;
	v1 =	vld [tilespmem:s11+$0xFFFFFF80]  }
0xd6: {  	s24 =	simm.s32 $0x1C0;
	v3 =	vadd.f32 v4, v3;
	v4 =	vld [tilespmem:s11+$0xFFFFFE00];
	[tilespmem:s21+$0x180] =	vst v0  }
0xd7: {  	s31 =	sor.u32 $0x50, s24;
	v0 =	vld [tilespmem:s11+$0x190]  }
0xd8: {  	v8 =	vld [tilespmem:s31+$0x19400]  }
0xd9: {  	s5 =	simm.s32 $0x40;
	v13 =	vld [tilespmem:s11+$0x100];
	[tilespmem:s21+$0xFFFFFE80] =	vst v3;
	v3 =	vadd.f32 v6, v5  }
0xda: {  	s9 =	sor.u32 $0x50, s5;
	v6 =	vld [tilespmem:s11+$0xFFFFFE90]  }
0xdb: {  	[tilespmem:s21+$0xFFFFFF00] =	vst v3;
	v3 =	vld [tilespmem:s9+$0x19400];
	v1 =	vadd.f32 v7, v1  }
0xdc: {  	v2 =	vadd.f32 v2, v4;
	v4 =	vld [tilespmem:s11+$0xFFFFFF10]  }
0xdd: {  	s12 =	simm.s32 $0xC0;
	[tilespmem:s21+$0xFFFFFF80] =	vst v1;
	v1 =	vld [tilespmem:s23+$0xFFFFFF90];
	v0 =	vadd.f32 v8, v0  }
0xde: {  	s9 =	sor.u32 $0x50, s12;
	[tilespmem:s21+$0xFFFFFE00] =	vst v2;
	v2 =	vld [tilespmem:s11+$0xFFFFFF90]  }
0xdf: {  	v54 =	vld [tilespmem:s9+$0x19400];
	[tilespmem:s21+$0x190] =	vst v0  }
0xe0: {  	s0 =	sor.u32 $0x60, s24;
	v3 =	vadd.f32 v3, v6;
	v0 =	vld [tilespmem:s11+$0x1A0]  }
0xe1: {  	v5 =	vld [tilespmem:s0+$0x19400]  }
0xe2: {  	v8 =	vld [tilespmem:s23+$0x80];
	[tilespmem:s21+$0xFFFFFE90] =	vst v3;
	v1 =	vadd.f32 v1, v4  }
0xe3: {  	s18 =	sor.u32 $0x60, s5;
	v4 =	vld [tilespmem:s11+$0xFFFFFEA0]  }
0xe4: {  	[tilespmem:s21+$0xFFFFFF10] =	vst v1;
	v1 =	vadd.f32 v54, v2;
	v2 =	vld [tilespmem:s18+$0x19400]  }
0xe5: {  	v7 =	vld [tilespmem:s23+$0xFFFFFF10]  }
0xe6: {  	v57 =	vld [tilespmem:s11+$0xFFFFFF20];
	v0 =	vadd.f32 v5, v0  }
0xe7: {  	v5 =	vld [tilespmem:s11+$0xFFFFFE10];
	[tilespmem:s21+$0xFFFFFF90] =	vst v1  }
0xe8: {  	v58 =	vld [tilespmem:s11+$0xFFFFFFA0];
	[tilespmem:s21+$0x1A0] =	vst v0;
	v0 =	vadd.f32 v10, v9  }
0xe9: {  	s10 =	sor.u32 $0x70, s24;
	v52 =	vld [tilespmem:s11+$0x1B0];
	v2 =	vadd.f32 v2, v4  }
0xea: {  	v53 =	vld [tilespmem:s10+$0x19400];
	[tilespmem:s21+$0x0] =	vst v0;
	v0 =	vadd.f32 v12, v11  }
0xeb: {  	v55 =	vld [tilespmem:s11+$0x10];
	[tilespmem:s21+$0xFFFFFEA0] =	vst v2  }
0xec: {  	[tilespmem:s21+$0x80] =	vst v0;
	v0 =	vadd.f32 v8, v13;
	v8 =	vld [tilespmem:s23+$0x10]  }
0xed: {  	s13 =	simm.s32 $0x140;
	v60 =	vld [tilespmem:s11+$0xFFFFFEB0]  }
0xee: {  	s15 =	sor.u32 $0x50, s13;
	v56 =	vld [tilespmem:s11+$0x90]  }
0xef: {  	[tilespmem:s21+$0x100] =	vst v0;
	v0 =	vadd.f32 v7, v5;
	v5 =	vld [tilespmem:s15+$0x19400]  }
0xf0: {  	v7 =	vld [tilespmem:s11+$0x110]  }
0xf1: {  	[tilespmem:s21+$0xFFFFFE10] =	vst v0;
	v0 =	vld [tilespmem:s23+$0x90]  }
0xf2: {  	v6 =	vld [tilespmem:s11+$0xFFFFFE20]  }
0xf3: {  	v3 =	vld [tilespmem:s23+$0xFFFFFF20];
	v1 =	vadd.f32 v8, v55  }
0xf4: {  	s25 =	sor.u32 $0x60, s12;
	v8 =	vld [tilespmem:s23+$0xFFFFFFA0]  }
0xf5: {  	[tilespmem:s21+$0x10] =	vst v1;
	v1 =	vadd.f32 v5, v56;
	v5 =	vld [tilespmem:s25+$0x19400]  }
0xf6: {  	v59 =	vld [tilespmem:s11+$0x20]  }
0xf7: {  	[tilespmem:s21+$0x90] =	vst v1;
	v0 =	vadd.f32 v0, v7;
	v1 =	vld [tilespmem:s23+$0x20]  }
0xf8: {  	s26 =	sor.u32 $0x60, s13;
	v7 =	vld [tilespmem:s11+$0xA0]  }
0xf9: {  	v3 =	vadd.f32 v3, v6;
	[tilespmem:s21+$0x110] =	vst v0;
	v0 =	vld [tilespmem:s26+$0x19400]  }
0xfa: {  	v2 =	vadd.f32 v8, v57;
	v6 =	vld [tilespmem:s11+$0x120]  }
0xfb: {  	s0 =	sor.u32 $0x70, s5;
	[tilespmem:s21+$0xFFFFFE20] =	vst v3;
	v3 =	vld [tilespmem:s23+$0xA0]  }
0xfc: {  	[tilespmem:s21+$0xFFFFFF20] =	vst v2;
	v2 =	vadd.f32 v5, v58;
	v5 =	vld [tilespmem:s0+$0x19400]  }
0xfd: {  	v4 =	vld [tilespmem:s11+$0xFFFFFE30]  }
0xfe: {  	v8 =	vld [tilespmem:s23+$0xFFFFFF30]  }
0xff: {  	v61 =	vld [tilespmem:s11+$0xFFFFFF30]  }
0x100: {  	v62 =	vld [tilespmem:s23+$0xFFFFFFB0];
	[tilespmem:s21+$0xFFFFFFA0] =	vst v2;
	v1 =	vadd.f32 v1, v59  }
0x101: {  	s29 =	sor.u32 $0x70, s12;
	v2 =	vadd.f32 v53, v52;
	v63 =	vld [tilespmem:s11+$0xFFFFFFB0]  }
0x102: {  	[tilespmem:s21+$0x20] =	vst v1;
	v1 =	vadd.f32 v0, v7;
	v7 =	vld [tilespmem:s29+$0x19400]  }
0x103: {  	[tilespmem:s21+$0x1B0] =	vst v2;
	v3 =	vadd.f32 v3, v6;
	v0 =	vld [tilespmem:s11+$0x30]  }
0x104: {  	v2 =	vld [tilespmem:s23+$0x30];
	[tilespmem:s21+$0xA0] =	vst v1;
	v4 =	vadd.f32 v8, v4  }
0x105: {  	s31 =	sor.u32 $0x70, s13;
	[tilespmem:s21+$0x120] =	vst v3;
	v3 =	vadd.f32 v5, v60;
	v1 =	vld [tilespmem:s11+$0xB0]  }
0x106: {  	v5 =	vadd.f32 v62, v61;
	[tilespmem:s21+$0xFFFFFE30] =	vst v4;
	v4 =	vld [tilespmem:s31+$0x19400]  }
0x107: {  	[tilespmem:s21+$0xFFFFFEB0] =	vst v3;
	v3 =	vld [tilespmem:s11+$0x130];
	v6 =	vadd.f32 v7, v63  }
0x108: {  	s12 =	simm.s32 $0x6E00;
	s18 =	sor.u32 $0x2, s16;
	s11 =	simm.s32 $0x0;
	[tilespmem:s21+$0xFFFFFF30] =	vst v5;
	v5 =	vld [tilespmem:s23+$0xB0]  }
.LBB2_5:
0x109: {  	v7 =	vld [tilespmem:s12+$0x180];
	[tilespmem:s21+$0xFFFFFFB0] =	vst v6;
	v0 =	vadd.f32 v2, v0;
	s23 =	sadd.s32 $0x200, s23  }
0x10a: {  	v2 =	vld [tilespmem:s23+$0xC0]  }
0x10b: {  	v6 =	vld [tilespmem:s23+$0xFFFFFF00];
	[tilespmem:s21+$0x30] =	vst v0;
	v0 =	vadd.f32 v4, v1  }
0x10c: {  	v1 =	vld [tilespmem:s12+$0xFFFFFE80]  }
0x10d: {  	s11 =	sadd.s32 $0x8, s11;
	v4 =	vld [tilespmem:s23+$0xFFFFFF40];
	[tilespmem:s21+$0xB0] =	vst v0;
	v0 =	vadd.f32 v5, v3  }
0x10e: {  	p1 =	slt.u32 s11, $0xC0;
	v3 =	vld [tilespmem:s12+$0xFFFFFF00]  }
0x10f: {  	v5 =	vld [tilespmem:s23+$0xFFFFFF80];
	v2 =	vadd.f32 v2, v7;
	[tilespmem:s21+$0x130] =	vst v0  }
0x110: {  	s21 =	sadd.s32 $0x400, s21;
	v0 =	vld [tilespmem:s12+$0xFFFFFF80]  }
0x111: {  	s24 =	sadd.s32 $0x200, s24;
	v7 =	vld [tilespmem:s23+$0xFFFFFFC0];
	[tilespmem:s21+$0x180] =	vst v2  }
0x112: {  	s2 =	sadd.s32 $0xFFFFFE80, s24;
	s13 =	sadd.s32 $0xFFFFFF00, s24;
	s0 =	sor.u32 $0x50, s24;
	v1 =	vadd.f32 v4, v1;
	v2 =	vld [tilespmem:s12+$0x190]  }
0x113: {  	s10 =	sadd.s32 $0xFFFFFF80, s24;
	s5 =	sor.u32 $0x50, s2;
	s25 =	sor.u32 $0x50, s13;
	v4 =	vld [tilespmem:s0+$0x19400]  }
0x114: {  	s31 =	sor.u32 $0x60, s13;
	s9 =	sor.u32 $0x50, s10;
	s0 =	sor.u32 $0x60, s2;
	[tilespmem:s21+$0xFFFFFE80] =	vst v1;
	v1 =	vadd.f32 v5, v3;
	v3 =	vld [tilespmem:s12+$0x0]  }
0x115: {  	s26 =	sor.u32 $0x70, s2;
	s15 =	sor.u32 $0x70, s13;
	s29 =	sor.u32 $0x60, s10;
	v5 =	vld [tilespmem:s23+$0x0]  }
0x116: {  	s13 =	sor.u32 $0x70, s10;
	[tilespmem:s21+$0xFFFFFF00] =	vst v1;
	v0 =	vadd.f32 v7, v0;
	v1 =	vld [tilespmem:s12+$0x80]  }
0x117: {  	v7 =	vld [tilespmem:s23+$0x40]  }
0x118: {  	[tilespmem:s21+$0xFFFFFF80] =	vst v0;
	v0 =	vld [tilespmem:s12+$0x100];
	v2 =	vadd.f32 v4, v2  }
0x119: {  	v4 =	vld [tilespmem:s23+$0x80]  }
0x11a: {  	v8 =	vld [tilespmem:s12+$0xFFFFFE00];
	v3 =	vadd.f32 v5, v3;
	[tilespmem:s21+$0x190] =	vst v2  }
0x11b: {  	s2 =	sor.u32 $0x60, s24;
	v2 =	vld [tilespmem:s12+$0x1A0]  }
0x11c: {  	[tilespmem:s21+$0x0] =	vst v3;
	v1 =	vadd.f32 v7, v1;
	v3 =	vld [tilespmem:s2+$0x19400]  }
0x11d: {  	v5 =	vld [tilespmem:s12+$0xFFFFFE90]  }
0x11e: {  	v7 =	vld [tilespmem:s5+$0x19400];
	[tilespmem:s21+$0x80] =	vst v1;
	v0 =	vadd.f32 v4, v0  }
0x11f: {  	v1 =	vadd.f32 v6, v8;
	v4 =	vld [tilespmem:s12+$0xFFFFFF10]  }
0x120: {  	v6 =	vld [tilespmem:s23+$0xFFFFFF90];
	[tilespmem:s21+$0x100] =	vst v0  }
0x121: {  	[tilespmem:s21+$0xFFFFFE00] =	vst v1;
	v0 =	vld [tilespmem:s12+$0xFFFFFF90];
	v1 =	vadd.f32 v3, v2  }
0x122: {  	v2 =	vld [tilespmem:s12+$0xFFFFFE10]  }
0x123: {  	v3 =	vld [tilespmem:s23+$0xFFFFFF10];
	v5 =	vadd.f32 v7, v5;
	[tilespmem:s21+$0x1A0] =	vst v1  }
0x124: {  	s2 =	sor.u32 $0x70, s24;
	v1 =	vld [tilespmem:s12+$0x1B0]  }
0x125: {  	[tilespmem:s21+$0xFFFFFE90] =	vst v5;
	v4 =	vadd.f32 v6, v4;
	v5 =	vld [tilespmem:s2+$0x19400]  }
0x126: {  	v6 =	vld [tilespmem:s25+$0x19400]  }
0x127: {  	[tilespmem:s21+$0xFFFFFF10] =	vst v4;
	v4 =	vld [tilespmem:s12+$0x10]  }
0x128: {  	v2 =	vadd.f32 v3, v2;
	v3 =	vld [tilespmem:s23+$0x10]  }
0x129: {  	v7 =	vld [tilespmem:s12+$0x90]  }
0x12a: {  	[tilespmem:s21+$0xFFFFFE10] =	vst v2;
	v2 =	vld [tilespmem:s9+$0x19400];
	v1 =	vadd.f32 v5, v1  }
0x12b: {  	v0 =	vadd.f32 v6, v0;
	v5 =	vld [tilespmem:s12+$0x110]  }
0x12c: {  	v6 =	vld [tilespmem:s23+$0x90];
	[tilespmem:s21+$0x1B0] =	vst v1  }
0x12d: {  	v1 =	vld [tilespmem:s12+$0xFFFFFE20];
	[tilespmem:s21+$0xFFFFFF90] =	vst v0;
	v0 =	vadd.f32 v3, v4  }
0x12e: {  	v3 =	vld [tilespmem:s23+$0xFFFFFF20]  }
0x12f: {  	v4 =	vld [tilespmem:s12+$0xFFFFFEA0];
	[tilespmem:s21+$0x10] =	vst v0;
	v0 =	vadd.f32 v2, v7  }
0x130: {  	v2 =	vld [tilespmem:s0+$0x19400]  }
0x131: {  	v7 =	vld [tilespmem:s12+$0xFFFFFF20];
	[tilespmem:s21+$0x90] =	vst v0;
	v0 =	vadd.f32 v6, v5  }
0x132: {  	v5 =	vld [tilespmem:s23+$0xFFFFFFA0]  }
0x133: {  	v1 =	vadd.f32 v3, v1;
	v3 =	vld [tilespmem:s12+$0xFFFFFFA0];
	[tilespmem:s21+$0x110] =	vst v0  }
0x134: {  	v0 =	vld [tilespmem:s31+$0x19400]  }
0x135: {  	[tilespmem:s21+$0xFFFFFE20] =	vst v1;
	v1 =	vadd.f32 v2, v4;
	v2 =	vld [tilespmem:s12+$0x20]  }
0x136: {  	v4 =	vld [tilespmem:s23+$0x20]  }
0x137: {  	[tilespmem:s21+$0xFFFFFEA0] =	vst v1;
	v1 =	vadd.f32 v5, v7;
	v5 =	vld [tilespmem:s12+$0xA0]  }
0x138: {  	v6 =	vld [tilespmem:s29+$0x19400]  }
0x139: {  	[tilespmem:s21+$0xFFFFFF20] =	vst v1;
	v0 =	vadd.f32 v0, v3;
	v1 =	vld [tilespmem:s12+$0x120]  }
0x13a: {  	v3 =	vld [tilespmem:s23+$0xA0]  }
0x13b: {  	v7 =	vld [tilespmem:s12+$0xFFFFFE30];
	[tilespmem:s21+$0xFFFFFFA0] =	vst v0;
	v0 =	vadd.f32 v4, v2  }
0x13c: {  	v2 =	vld [tilespmem:s23+$0xFFFFFF30]  }
0x13d: {  	v4 =	vld [tilespmem:s12+$0xFFFFFEB0];
	[tilespmem:s21+$0x20] =	vst v0;
	v0 =	vadd.f32 v6, v5  }
0x13e: {  	v5 =	vld [tilespmem:s26+$0x19400]  }
0x13f: {  	v6 =	vld [tilespmem:s12+$0xFFFFFF30];
	[tilespmem:s21+$0xA0] =	vst v0;
	v0 =	vadd.f32 v3, v1  }
0x140: {  	v1 =	vld [tilespmem:s23+$0xFFFFFFB0]  }
0x141: {  	v2 =	vadd.f32 v2, v7;
	v3 =	vld [tilespmem:s12+$0xFFFFFFB0];
	[tilespmem:s21+$0x120] =	vst v0  }
0x142: {  	v7 =	vld [tilespmem:s15+$0x19400]  }
0x143: {  	[tilespmem:s21+$0xFFFFFE30] =	vst v2;
	v4 =	vadd.f32 v5, v4;
	v0 =	vld [tilespmem:s12+$0x30]  }
.Ltmp1:
0x144: {  	v2 =	vld [tilespmem:s23+$0x30];
	(pc) =	sbr.rel @p1 .LBB2_5-.Ltmp1, $4  }
0x145: {  	[tilespmem:s21+$0xFFFFFEB0] =	vst v4;
	v5 =	vadd.f32 v1, v6;
	v1 =	vld [tilespmem:s12+$0xB0]  }
0x146: {  	v4 =	vld [tilespmem:s13+$0x19400]  }
0x147: {  	[tilespmem:s21+$0xFFFFFF30] =	vst v5;
	v6 =	vadd.f32 v7, v3;
	v3 =	vld [tilespmem:s12+$0x130]  }
0x148: {  	s12 =	sadd.s32 $0x400, s12;
	v5 =	vld [tilespmem:s23+$0xB0]  }
0x149: {  	_ =	sdelay $0x1  }
0x14a: {  	v0 =	vadd.f32 v2, v0  }
0x14b: {  	[tilespmem:s21+$0xFFFFFFB0] =	vst v6;
	s0 =	sadd.s32 s8, s14;
	v1 =	vadd.f32 v4, v1  }
0x14c: {  	s0 =	smul.u32 $0xC80, s0;
	[tilespmem:s21+$0x30] =	vst v0;
	v0 =	vadd.f32 v5, v3  }
0x14d: {  	[tilespmem:s21+$0xB0] =	vst v1  }
0x14e: {  	s2 =	simm.s32 $0x13000;
	s24 =	simm.s32 $0x4;
	s0 =	sadd.s32 s6, s0;
	[tilespmem:s21+$0x130] =	vst v0  }
0x14f: {  	[hbm4b:s0+s3] =	stream.linear.scatter [tilespmem:s2], [sflag:$0x8], $0x6400, $0x38;
	[tilespmem:$0x1C600] =	vst v63  }
0x150: {  	_ =	swait.ge [sflag:s24], $0xC8  }
0x151: {  	[sflag:s24] =	ssyncset.done $0x0  }
0x152: {  	s31 =	simm.s32 $0x6800;
	s25 =	simm.s32 $0x300;
	[sflag:s24] =	ssyncadd.s32 $0xFFFFFF38  }
0x153: {  	[tilespmem:s31], [sflag:$0x6] =	stream.indirect.gather [hbm4b:s4+s20], $0x80, s25, s20, $0xb8;
	[tilespmem:$0x1C600] =	vst v63  }
0x154: {  	s26 =	simm.s32 $0x9C00;
	s29 =	simm.s32 $0x368  }
0x155: {  	[tilespmem:s26], [sflag:$0x6] =	stream.indirect.gather [hbm4b:s4+s22], $0x80, s29, s22, $0xb8;
	[tilespmem:$0x1C600] =	vst v63  }
0x156: {  	_ =	swait.ge [sflag:s30], $0x6400  }
0x157: {  	s0 =	rddreg [dreg:$0x8]  }
0x158: {  	s0 =	sadd.s32 @!p0 s16, s0  }
0x159: {  	s0 =	smul.u32 @!p0 $0x19, s0  }
0x15a: {  	s5 =	simm.s32 @!p0 $0x100;
	[sflag:s30] =	ssyncset.done $0x0  }
0x15b: {  	s2 =	simm.s32 @!p0 $0x0;
	[sflag:s30] =	ssyncadd.s32 $0xFFFF9C00;
	s0 =	sadd.s32 @!p0 s1, s0  }
0x15c: {  	[tilespmem:s5], [sflag:$0x2] =	stream.linear.gather @!p0 [hbm4b:s0+s2], $0xC8, $0x38;
	[tilespmem:$0x1C600] =	vst v63  }
0x15d: {  	_ =	swait.ge [sflag:s7], $0x6400  }
0x15e: {  	[sflag:s7] =	ssyncset.done $0x0  }
0x15f: {  	s11 =	simm.s32 $0x600;
	[sflag:s7] =	ssyncadd.s32 $0xFFFF9C00  }
0x160: {  	s21 =	simm.s32 $0x19500;
	v0 =	vld [tilespmem:s11+$0x180]  }
0x161: {  	v1 =	vld [tilespmem:s21+$0xC0];
	_ =	sdelay $0x3  }
0x162: {  	v2 =	vld [tilespmem:s11+$0xFFFFFE80]  }
0x163: {  	v4 =	vld [tilespmem:s11+$0xFFFFFF80];
	v0 =	vadd.f32 v1, v0  }
0x164: {  	s14 =	simm.s32 $0xCE00;
	v1 =	vld [tilespmem:s21+$0xFFFFFF40]  }
0x165: {  	s23 =	simm.s32 $0x1C0;
	v5 =	vld [tilespmem:s21+$0xFFFFFFC0];
	[tilespmem:s14+$0x180] =	vst v0  }
0x166: {  	s2 =	sor.u32 $0x50, s23;
	v0 =	vld [tilespmem:s11+$0x190]  }
0x167: {  	v3 =	vld [tilespmem:s2+$0x19400];
	_ =	sdelay $0x1  }
0x168: {  	v1 =	vadd.f32 v1, v2  }
0x169: {  	v2 =	vld [tilespmem:s11+$0x80]  }
0x16a: {  	s5 =	simm.s32 $0x40;
	[tilespmem:s14+$0xFFFFFE80] =	vst v1;
	v1 =	vld [tilespmem:s21+$0x40]  }
0x16b: {  	s25 =	sor.u32 $0x50, s5;
	v4 =	vadd.f32 v5, v4;
	v0 =	vadd.f32 v3, v0;
	v3 =	vld [tilespmem:s11+$0xFFFFFE90]  }
0x16c: {  	v6 =	vld [tilespmem:s25+$0x19400]  }
0x16d: {  	[tilespmem:s14+$0xFFFFFF80] =	vst v4  }
0x16e: {  	v4 =	vld [tilespmem:s11+$0xFFFFFF90];
	[tilespmem:s14+$0x190] =	vst v0  }
0x16f: {  	s26 =	sor.u32 $0x60, s23;
	s29 =	simm.s32 $0xC0;
	v0 =	vld [tilespmem:s11+$0x1A0];
	v1 =	vadd.f32 v1, v2  }
0x170: {  	s9 =	sor.u32 $0x50, s29;
	v2 =	vld [tilespmem:s26+$0x19400]  }
0x171: {  	s12 =	simm.s32 $0x140;
	[tilespmem:s14+$0x80] =	vst v1;
	v1 =	vadd.f32 v6, v3;
	v3 =	vld [tilespmem:s9+$0x19400]  }
0x172: {  	s10 =	sor.u32 $0x50, s12;
	v5 =	vld [tilespmem:s11+$0x90]  }
0x173: {  	[tilespmem:s14+$0xFFFFFE90] =	vst v1;
	v1 =	vld [tilespmem:s10+$0x19400]  }
0x174: {  	s13 =	sor.u32 $0x60, s5;
	v6 =	vld [tilespmem:s11+$0xFFFFFEA0]  }
0x175: {  	v7 =	vld [tilespmem:s13+$0x19400];
	v0 =	vadd.f32 v2, v0  }
0x176: {  	v8 =	vld [tilespmem:s21+$0xFFFFFF80];
	v2 =	vadd.f32 v3, v4  }
0x177: {  	s15 =	sor.u32 $0x70, s23;
	v9 =	vld [tilespmem:s21+$0x0];
	[tilespmem:s14+$0x1A0] =	vst v0  }
0x178: {  	s24 =	sor.u32 $0x60, s29;
	v0 =	vadd.f32 v1, v5;
	v1 =	vld [tilespmem:s15+$0x19400];
	[tilespmem:s14+$0xFFFFFF90] =	vst v2  }
0x179: {  	v2 =	vld [tilespmem:s24+$0x19400]  }
0x17a: {  	v4 =	vld [tilespmem:s11+$0xFFFFFFA0];
	[tilespmem:s14+$0x90] =	vst v0;
	v0 =	vadd.f32 v7, v6  }
0x17b: {  	v6 =	vld [tilespmem:s11+$0xFFFFFE00]  }
0x17c: {  	[tilespmem:s14+$0xFFFFFEA0] =	vst v0;
	v0 =	vld [tilespmem:s21+$0xFFFFFF00]  }
0x17d: {  	s25 =	sor.u32 $0x60, s12;
	v7 =	vld [tilespmem:s11+$0xFFFFFF00]  }
0x17e: {  	s0 =	sor.u32 $0x70, s5;
	v3 =	vld [tilespmem:s25+$0x19400]  }
0x17f: {  	v5 =	vld [tilespmem:s0+$0x19400];
	v2 =	vadd.f32 v2, v4  }
0x180: {  	v4 =	vld [tilespmem:s11+$0x0]  }
0x181: {  	s26 =	sor.u32 $0x70, s29;
	[tilespmem:s14+$0xFFFFFFA0] =	vst v2;
	v2 =	vld [tilespmem:s11+$0x100];
	v0 =	vadd.f32 v0, v6  }
0x182: {  	v10 =	vld [tilespmem:s26+$0x19400]  }
0x183: {  	v6 =	vadd.f32 v8, v7;
	v7 =	vld [tilespmem:s21+$0x80];
	[tilespmem:s14+$0xFFFFFE00] =	vst v0  }
0x184: {  	v0 =	vld [tilespmem:s11+$0xFFFFFE10]  }
0x185: {  	[tilespmem:s14+$0xFFFFFF00] =	vst v6;
	v4 =	vadd.f32 v9, v4;
	v6 =	vld [tilespmem:s21+$0xFFFFFF10]  }
0x186: {  	v8 =	vld [tilespmem:s11+$0xFFFFFF10]  }
0x187: {  	[tilespmem:s14+$0x0] =	vst v4;
	v4 =	vld [tilespmem:s21+$0xFFFFFF90]  }
0x188: {  	v2 =	vadd.f32 v7, v2;
	v7 =	vld [tilespmem:s11+$0x10]  }
0x189: {  	v60 =	vld [tilespmem:s21+$0x10]  }
0x18a: {  	[tilespmem:s14+$0x100] =	vst v2;
	v2 =	vld [tilespmem:s11+$0x1B0];
	v0 =	vadd.f32 v6, v0  }
0x18b: {  	v6 =	vld [tilespmem:s11+$0x110]  }
0x18c: {  	v4 =	vadd.f32 v4, v8;
	[tilespmem:s14+$0xFFFFFE10] =	vst v0;
	v0 =	vld [tilespmem:s21+$0x90]  }
0x18d: {  	v8 =	vld [tilespmem:s11+$0xFFFFFE20]  }
0x18e: {  	[tilespmem:s14+$0xFFFFFF10] =	vst v4;
	v4 =	vadd.f32 v60, v7;
	v7 =	vld [tilespmem:s21+$0xFFFFFF20]  }
0x18f: {  	v61 =	vld [tilespmem:s11+$0xFFFFFF20]  }
0x190: {  	[tilespmem:s14+$0x10] =	vst v4;
	v4 =	vld [tilespmem:s21+$0xFFFFFFA0]  }
0x191: {  	v11 =	vld [tilespmem:s21+$0x20];
	v0 =	vadd.f32 v0, v6  }
0x192: {  	v6 =	vld [tilespmem:s11+$0x20]  }
0x193: {  	v7 =	vadd.f32 v7, v8;
	[tilespmem:s14+$0x110] =	vst v0;
	v0 =	vld [tilespmem:s11+$0xA0]  }
0x194: {  	v8 =	vld [tilespmem:s11+$0x120]  }
0x195: {  	[tilespmem:s14+$0xFFFFFE20] =	vst v7;
	v7 =	vld [tilespmem:s21+$0xA0]  }
0x196: {  	v4 =	vadd.f32 v4, v61;
	v62 =	vld [tilespmem:s11+$0xFFFFFE30]  }
0x197: {  	v12 =	vld [tilespmem:s21+$0xFFFFFF30]  }
0x198: {  	[tilespmem:s14+$0xFFFFFF20] =	vst v4;
	v4 =	vld [tilespmem:s11+$0xFFFFFEB0]  }
0x199: {  	v6 =	vadd.f32 v11, v6;
	v63 =	vld [tilespmem:s11+$0xFFFFFF30]  }
0x19a: {  	v1 =	vadd.f32 v1, v2;
	v13 =	vld [tilespmem:s21+$0xFFFFFFB0]  }
0x19b: {  	[tilespmem:s14+$0x20] =	vst v6;
	v2 =	vadd.f32 v3, v0;
	v6 =	vld [tilespmem:s11+$0xFFFFFFB0]  }
0x19c: {  	[tilespmem:s14+$0x1B0] =	vst v1;
	v1 =	vadd.f32 v7, v8;
	v0 =	vld [tilespmem:s11+$0x30]  }
0x19d: {  	[tilespmem:s14+$0xA0] =	vst v2;
	v3 =	vadd.f32 v12, v62;
	v2 =	vld [tilespmem:s21+$0x30]  }
0x19e: {  	s29 =	sor.u32 $0x70, s12;
	[tilespmem:s14+$0x120] =	vst v1;
	v5 =	vadd.f32 v5, v4;
	v1 =	vld [tilespmem:s11+$0xB0]  }
0x19f: {  	v4 =	vld [tilespmem:s29+$0x19400];
	[tilespmem:s14+$0xFFFFFE30] =	vst v3;
	v7 =	vadd.f32 v13, v63  }
0x1a0: {  	v3 =	vld [tilespmem:s11+$0x130];
	[tilespmem:s14+$0xFFFFFEB0] =	vst v5;
	v6 =	vadd.f32 v10, v6  }
0x1a1: {  	s12 =	simm.s32 $0xA00;
	s11 =	simm.s32 $0x0;
	v5 =	vld [tilespmem:s21+$0xB0];
	[tilespmem:s14+$0xFFFFFF30] =	vst v7  }
.LBB2_7:
0x1a2: {  	v7 =	vld [tilespmem:s12+$0x180];
	[tilespmem:s14+$0xFFFFFFB0] =	vst v6;
	v0 =	vadd.f32 v2, v0;
	s21 =	sadd.s32 $0x200, s21  }
0x1a3: {  	v2 =	vld [tilespmem:s21+$0xC0]  }
0x1a4: {  	v6 =	vld [tilespmem:s21+$0xFFFFFF00];
	[tilespmem:s14+$0x30] =	vst v0;
	v0 =	vadd.f32 v4, v1  }
0x1a5: {  	v1 =	vld [tilespmem:s12+$0xFFFFFE80]  }
0x1a6: {  	s11 =	sadd.s32 $0x8, s11;
	v4 =	vld [tilespmem:s21+$0xFFFFFF40];
	[tilespmem:s14+$0xB0] =	vst v0;
	v0 =	vadd.f32 v5, v3  }
0x1a7: {  	p0 =	slt.u32 s11, $0xC0;
	v3 =	vld [tilespmem:s12+$0xFFFFFF00]  }
0x1a8: {  	v5 =	vld [tilespmem:s21+$0xFFFFFF80];
	v2 =	vadd.f32 v2, v7;
	[tilespmem:s14+$0x130] =	vst v0  }
0x1a9: {  	s14 =	sadd.s32 $0x400, s14;
	v0 =	vld [tilespmem:s12+$0xFFFFFF80]  }
0x1aa: {  	s23 =	sadd.s32 $0x200, s23;
	v7 =	vld [tilespmem:s21+$0xFFFFFFC0];
	[tilespmem:s14+$0x180] =	vst v2  }
0x1ab: {  	s2 =	sadd.s32 $0xFFFFFE80, s23;
	s5 =	sadd.s32 $0xFFFFFF00, s23;
	s0 =	sor.u32 $0x50, s23;
	v1 =	vadd.f32 v4, v1;
	v2 =	vld [tilespmem:s12+$0x190]  }
0x1ac: {  	s13 =	sadd.s32 $0xFFFFFF80, s23;
	s10 =	sor.u32 $0x50, s2;
	s25 =	sor.u32 $0x50, s5;
	v4 =	vld [tilespmem:s0+$0x19400]  }
0x1ad: {  	s29 =	sor.u32 $0x60, s5;
	s9 =	sor.u32 $0x50, s13;
	s0 =	sor.u32 $0x60, s2;
	[tilespmem:s14+$0xFFFFFE80] =	vst v1;
	v1 =	vadd.f32 v5, v3;
	v3 =	vld [tilespmem:s12+$0x0]  }
0x1ae: {  	s24 =	sor.u32 $0x70, s2;
	s15 =	sor.u32 $0x70, s5;
	s26 =	sor.u32 $0x60, s13;
	v5 =	vld [tilespmem:s21+$0x0]  }
0x1af: {  	s13 =	sor.u32 $0x70, s13;
	[tilespmem:s14+$0xFFFFFF00] =	vst v1;
	v0 =	vadd.f32 v7, v0;
	v1 =	vld [tilespmem:s12+$0x80]  }
0x1b0: {  	v7 =	vld [tilespmem:s21+$0x40]  }
0x1b1: {  	[tilespmem:s14+$0xFFFFFF80] =	vst v0;
	v0 =	vld [tilespmem:s12+$0x100];
	v2 =	vadd.f32 v4, v2  }
0x1b2: {  	v4 =	vld [tilespmem:s21+$0x80]  }
0x1b3: {  	v8 =	vld [tilespmem:s12+$0xFFFFFE00];
	v3 =	vadd.f32 v5, v3;
	[tilespmem:s14+$0x190] =	vst v2  }
0x1b4: {  	s2 =	sor.u32 $0x60, s23;
	v2 =	vld [tilespmem:s12+$0x1A0]  }
0x1b5: {  	[tilespmem:s14+$0x0] =	vst v3;
	v1 =	vadd.f32 v7, v1;
	v3 =	vld [tilespmem:s2+$0x19400]  }
0x1b6: {  	v5 =	vld [tilespmem:s12+$0xFFFFFE90]  }
0x1b7: {  	v7 =	vld [tilespmem:s10+$0x19400];
	[tilespmem:s14+$0x80] =	vst v1;
	v0 =	vadd.f32 v4, v0  }
0x1b8: {  	v1 =	vadd.f32 v6, v8;
	v4 =	vld [tilespmem:s12+$0xFFFFFF10]  }
0x1b9: {  	v6 =	vld [tilespmem:s21+$0xFFFFFF90];
	[tilespmem:s14+$0x100] =	vst v0  }
0x1ba: {  	[tilespmem:s14+$0xFFFFFE00] =	vst v1;
	v0 =	vld [tilespmem:s12+$0xFFFFFF90];
	v1 =	vadd.f32 v3, v2  }
0x1bb: {  	v2 =	vld [tilespmem:s12+$0xFFFFFE10]  }
0x1bc: {  	v3 =	vld [tilespmem:s21+$0xFFFFFF10];
	v5 =	vadd.f32 v7, v5;
	[tilespmem:s14+$0x1A0] =	vst v1  }
0x1bd: {  	s2 =	sor.u32 $0x70, s23;
	v1 =	vld [tilespmem:s12+$0x1B0]  }
0x1be: {  	[tilespmem:s14+$0xFFFFFE90] =	vst v5;
	v4 =	vadd.f32 v6, v4;
	v5 =	vld [tilespmem:s2+$0x19400]  }
0x1bf: {  	v6 =	vld [tilespmem:s25+$0x19400]  }
0x1c0: {  	[tilespmem:s14+$0xFFFFFF10] =	vst v4;
	v4 =	vld [tilespmem:s12+$0x10]  }
0x1c1: {  	v2 =	vadd.f32 v3, v2;
	v3 =	vld [tilespmem:s21+$0x10]  }
0x1c2: {  	v7 =	vld [tilespmem:s12+$0x90]  }
0x1c3: {  	[tilespmem:s14+$0xFFFFFE10] =	vst v2;
	v2 =	vld [tilespmem:s9+$0x19400];
	v1 =	vadd.f32 v5, v1  }
0x1c4: {  	v0 =	vadd.f32 v6, v0;
	v5 =	vld [tilespmem:s12+$0x110]  }
0x1c5: {  	v6 =	vld [tilespmem:s21+$0x90];
	[tilespmem:s14+$0x1B0] =	vst v1  }
0x1c6: {  	v1 =	vld [tilespmem:s12+$0xFFFFFE20];
	[tilespmem:s14+$0xFFFFFF90] =	vst v0;
	v0 =	vadd.f32 v3, v4  }
0x1c7: {  	v3 =	vld [tilespmem:s21+$0xFFFFFF20]  }
0x1c8: {  	v4 =	vld [tilespmem:s12+$0xFFFFFEA0];
	[tilespmem:s14+$0x10] =	vst v0;
	v0 =	vadd.f32 v2, v7  }
0x1c9: {  	v2 =	vld [tilespmem:s0+$0x19400]  }
0x1ca: {  	v7 =	vld [tilespmem:s12+$0xFFFFFF20];
	[tilespmem:s14+$0x90] =	vst v0;
	v0 =	vadd.f32 v6, v5  }
0x1cb: {  	v5 =	vld [tilespmem:s21+$0xFFFFFFA0]  }
0x1cc: {  	v1 =	vadd.f32 v3, v1;
	v3 =	vld [tilespmem:s12+$0xFFFFFFA0];
	[tilespmem:s14+$0x110] =	vst v0  }
0x1cd: {  	v0 =	vld [tilespmem:s29+$0x19400]  }
0x1ce: {  	[tilespmem:s14+$0xFFFFFE20] =	vst v1;
	v1 =	vadd.f32 v2, v4;
	v2 =	vld [tilespmem:s12+$0x20]  }
0x1cf: {  	v4 =	vld [tilespmem:s21+$0x20]  }
0x1d0: {  	[tilespmem:s14+$0xFFFFFEA0] =	vst v1;
	v1 =	vadd.f32 v5, v7;
	v5 =	vld [tilespmem:s12+$0xA0]  }
0x1d1: {  	v6 =	vld [tilespmem:s26+$0x19400]  }
0x1d2: {  	[tilespmem:s14+$0xFFFFFF20] =	vst v1;
	v0 =	vadd.f32 v0, v3;
	v1 =	vld [tilespmem:s12+$0x120]  }
0x1d3: {  	v3 =	vld [tilespmem:s21+$0xA0]  }
0x1d4: {  	v7 =	vld [tilespmem:s12+$0xFFFFFE30];
	[tilespmem:s14+$0xFFFFFFA0] =	vst v0;
	v0 =	vadd.f32 v4, v2  }
0x1d5: {  	v2 =	vld [tilespmem:s21+$0xFFFFFF30]  }
0x1d6: {  	v4 =	vld [tilespmem:s12+$0xFFFFFEB0];
	[tilespmem:s14+$0x20] =	vst v0;
	v0 =	vadd.f32 v6, v5  }
0x1d7: {  	v5 =	vld [tilespmem:s24+$0x19400]  }
0x1d8: {  	v6 =	vld [tilespmem:s12+$0xFFFFFF30];
	[tilespmem:s14+$0xA0] =	vst v0;
	v0 =	vadd.f32 v3, v1  }
0x1d9: {  	v1 =	vld [tilespmem:s21+$0xFFFFFFB0]  }
0x1da: {  	v2 =	vadd.f32 v2, v7;
	v3 =	vld [tilespmem:s12+$0xFFFFFFB0];
	[tilespmem:s14+$0x120] =	vst v0  }
0x1db: {  	v7 =	vld [tilespmem:s15+$0x19400]  }
0x1dc: {  	[tilespmem:s14+$0xFFFFFE30] =	vst v2;
	v4 =	vadd.f32 v5, v4;
	v0 =	vld [tilespmem:s12+$0x30]  }
.Ltmp2:
0x1dd: {  	v2 =	vld [tilespmem:s21+$0x30];
	(pc) =	sbr.rel @p0 .LBB2_7-.Ltmp2, $4  }
0x1de: {  	[tilespmem:s14+$0xFFFFFEB0] =	vst v4;
	v5 =	vadd.f32 v1, v6;
	v1 =	vld [tilespmem:s12+$0xB0]  }
0x1df: {  	v4 =	vld [tilespmem:s13+$0x19400]  }
0x1e0: {  	[tilespmem:s14+$0xFFFFFF30] =	vst v5;
	v6 =	vadd.f32 v7, v3;
	v3 =	vld [tilespmem:s12+$0x130]  }
0x1e1: {  	s12 =	sadd.s32 $0x400, s12;
	v5 =	vld [tilespmem:s21+$0xB0]  }
0x1e2: {  	_ =	sdelay $0x1  }
0x1e3: {  	v0 =	vadd.f32 v2, v0  }
0x1e4: {  	[tilespmem:s14+$0xFFFFFFB0] =	vst v6;
	s0 =	sadd.s32 s8, s18;
	v1 =	vadd.f32 v4, v1  }
0x1e5: {  	s0 =	smul.u32 $0xC80, s0;
	[tilespmem:s14+$0x30] =	vst v0;
	v0 =	vadd.f32 v5, v3  }
0x1e6: {  	[tilespmem:s14+$0xB0] =	vst v1  }
0x1e7: {  	p0 =	sne.s32 s19, $0x7;
	s2 =	simm.s32 $0xCC00;
	s0 =	sadd.s32 s6, s0;
	[tilespmem:s14+$0x130] =	vst v0  }
0x1e8: {  	[hbm4b:s0+s3] =	stream.linear.scatter [tilespmem:s2], [sflag:$0x7], $0x6400, $0x38;
	[tilespmem:$0x1C600] =	vst v63  }
0x1e9: {  	s0 =	simm.s32 @p0 $0x1  }
0x1ea: {  	_ =	swait.ge @p0 [sflag:s0], $0xC8  }
0x1eb: {  	s5 =	simm.s32 @p0 $0x400;
	[sflag:s0] =	ssyncset.done @p0 $0x0  }
0x1ec: {  	s2 =	simm.s32 @p0 $0x0;
	[sflag:s0] =	ssyncadd.s32 @p0 $0xFFFFFF38;
	s0 =	simm.s32 @p0 $0x68  }
0x1ed: {  	[tilespmem:s5], [sflag:$0x5] =	stream.indirect.gather @p0 [hbm4b:s4+s0], $0x80, s2, s0, $0xb8;
	[tilespmem:$0x1C600] =	vst v63  }
0x1ee: {  	s9 =	simm.s32 @p0 $0x3800;
	s5 =	simm.s32 @p0 $0x60  }
0x1ef: {  	[tilespmem:s9], [sflag:$0x5] =	stream.indirect.gather @p0 [hbm4b:s4+s5], $0x80, s0, s5, $0xb8;
	[tilespmem:$0x1C600] =	vst v63  }
0x1f0: {  	s5 =	rddreg [dreg:$0x9]  }
0x1f1: {  	s0 =	simm.s32 @p0 $0x6;
	s5 =	sadd.s32 @p0 s16, s5  }
0x1f2: {  	_ =	swait.ge @p0 [sflag:s0], $0x6400;
	s5 =	smul.u32 @p0 $0x19, s5  }
0x1f3: {  	[sflag:s0] =	ssyncset.done @p0 $0x0  }
0x1f4: {  	[sflag:s0] =	ssyncadd.s32 @p0 $0xFFFF9C00;
	s0 =	sadd.s32 @p0 s1, s5;
	s5 =	simm.s32 @p0 $0x200  }
0x1f5: {  	[tilespmem:s5], [sflag:$0x3] =	stream.linear.gather @p0 [hbm4b:s0+s2], $0xC8, $0x38;
	[tilespmem:$0x1C600] =	vst v63  }
0x1f6: {  	s0 =	simm.s32 @!p0 $0x6  }
0x1f7: {  	_ =	swait.ge @!p0 [sflag:s0], $0x6400  }
0x1f8: {  	[sflag:s0] =	ssyncset.done @!p0 $0x0  }
0x1f9: {  	[sflag:s0] =	ssyncadd.s32 @!p0 $0xFFFF9C00  }
0x1fa: {  	_ =	swait.ge [sflag:s17], $0x6400  }
0x1fb: {  	[sflag:s17] =	ssyncset.done $0x0  }
0x1fc: {  	s11 =	simm.s32 $0x6A00;
	[sflag:s17] =	ssyncadd.s32 $0xFFFF9C00  }
0x1fd: {  	s14 =	simm.s32 $0x19500;
	v0 =	vld [tilespmem:s11+$0x180]  }
0x1fe: {  	v1 =	vld [tilespmem:s14+$0xC0]  }
0x1ff: {  	v2 =	vld [tilespmem:s14+$0xFFFFFF00]  }
0x200: {  	v3 =	vld [tilespmem:s11+$0xFFFFFE80]  }
0x201: {  	v4 =	vld [tilespmem:s14+$0xFFFFFF40]  }
0x202: {  	v5 =	vld [tilespmem:s11+$0xFFFFFF00]  }
0x203: {  	v6 =	vld [tilespmem:s14+$0xFFFFFF80]  }
0x204: {  	v7 =	vld [tilespmem:s14+$0xFFFFFFC0]  }
0x205: {  	v9 =	vld [tilespmem:s11+$0x0]  }
0x206: {  	v10 =	vld [tilespmem:s14+$0x0]  }
0x207: {  	v11 =	vld [tilespmem:s11+$0x80]  }
0x208: {  	v12 =	vld [tilespmem:s14+$0x40];
	v0 =	vadd.f32 v1, v0  }
0x209: {  	s16 =	simm.s32 $0x13200;
	v1 =	vld [tilespmem:s11+$0xFFFFFF80]  }
0x20a: {  	s18 =	simm.s32 $0x1C0;
	v3 =	vadd.f32 v4, v3;
	v4 =	vld [tilespmem:s11+$0xFFFFFE00];
	[tilespmem:s16+$0x180] =	vst v0  }
0x20b: {  	s25 =	sor.u32 $0x50, s18;
	v0 =	vld [tilespmem:s11+$0x190]  }
0x20c: {  	v8 =	vld [tilespmem:s25+$0x19400]  }
0x20d: {  	s29 =	simm.s32 $0x40;
	v13 =	vld [tilespmem:s11+$0x100];
	[tilespmem:s16+$0xFFFFFE80] =	vst v3;
	v3 =	vadd.f32 v6, v5  }
0x20e: {  	s9 =	sor.u32 $0x50, s29;
	v6 =	vld [tilespmem:s11+$0xFFFFFE90]  }
0x20f: {  	[tilespmem:s16+$0xFFFFFF00] =	vst v3;
	v3 =	vld [tilespmem:s9+$0x19400];
	v1 =	vadd.f32 v7, v1  }
0x210: {  	v2 =	vadd.f32 v2, v4;
	v4 =	vld [tilespmem:s11+$0xFFFFFF10]  }
0x211: {  	s12 =	simm.s32 $0xC0;
	[tilespmem:s16+$0xFFFFFF80] =	vst v1;
	v1 =	vld [tilespmem:s14+$0xFFFFFF90];
	v0 =	vadd.f32 v8, v0  }
0x212: {  	s13 =	sor.u32 $0x50, s12;
	[tilespmem:s16+$0xFFFFFE00] =	vst v2;
	v2 =	vld [tilespmem:s11+$0xFFFFFF90]  }
0x213: {  	v54 =	vld [tilespmem:s13+$0x19400];
	[tilespmem:s16+$0x190] =	vst v0  }
0x214: {  	s26 =	sor.u32 $0x60, s18;
	v3 =	vadd.f32 v3, v6;
	v0 =	vld [tilespmem:s11+$0x1A0]  }
0x215: {  	v5 =	vld [tilespmem:s26+$0x19400]  }
0x216: {  	v8 =	vld [tilespmem:s14+$0x80];
	[tilespmem:s16+$0xFFFFFE90] =	vst v3;
	v1 =	vadd.f32 v1, v4  }
0x217: {  	s23 =	sor.u32 $0x60, s29;
	v4 =	vld [tilespmem:s11+$0xFFFFFEA0]  }
0x218: {  	[tilespmem:s16+$0xFFFFFF10] =	vst v1;
	v1 =	vadd.f32 v54, v2;
	v2 =	vld [tilespmem:s23+$0x19400]  }
0x219: {  	v7 =	vld [tilespmem:s14+$0xFFFFFF10]  }
0x21a: {  	v57 =	vld [tilespmem:s11+$0xFFFFFF20];
	v0 =	vadd.f32 v5, v0  }
0x21b: {  	v5 =	vld [tilespmem:s11+$0xFFFFFE10];
	[tilespmem:s16+$0xFFFFFF90] =	vst v1  }
0x21c: {  	v58 =	vld [tilespmem:s11+$0xFFFFFFA0];
	[tilespmem:s16+$0x1A0] =	vst v0;
	v0 =	vadd.f32 v10, v9  }
0x21d: {  	s10 =	sor.u32 $0x70, s18;
	v52 =	vld [tilespmem:s11+$0x1B0];
	v2 =	vadd.f32 v2, v4  }
0x21e: {  	v53 =	vld [tilespmem:s10+$0x19400];
	[tilespmem:s16+$0x0] =	vst v0;
	v0 =	vadd.f32 v12, v11  }
0x21f: {  	v55 =	vld [tilespmem:s11+$0x10];
	[tilespmem:s16+$0xFFFFFEA0] =	vst v2  }
0x220: {  	[tilespmem:s16+$0x80] =	vst v0;
	v0 =	vadd.f32 v8, v13;
	v8 =	vld [tilespmem:s14+$0x10]  }
0x221: {  	s15 =	simm.s32 $0x140;
	v60 =	vld [tilespmem:s11+$0xFFFFFEB0]  }
0x222: {  	s21 =	sor.u32 $0x50, s15;
	v56 =	vld [tilespmem:s11+$0x90]  }
0x223: {  	[tilespmem:s16+$0x100] =	vst v0;
	v0 =	vadd.f32 v7, v5;
	v5 =	vld [tilespmem:s21+$0x19400]  }
0x224: {  	v7 =	vld [tilespmem:s11+$0x110]  }
0x225: {  	[tilespmem:s16+$0xFFFFFE10] =	vst v0;
	v0 =	vld [tilespmem:s14+$0x90]  }
0x226: {  	v6 =	vld [tilespmem:s11+$0xFFFFFE20]  }
0x227: {  	v3 =	vld [tilespmem:s14+$0xFFFFFF20];
	v1 =	vadd.f32 v8, v55  }
0x228: {  	s24 =	sor.u32 $0x60, s12;
	v8 =	vld [tilespmem:s14+$0xFFFFFFA0]  }
0x229: {  	[tilespmem:s16+$0x10] =	vst v1;
	v1 =	vadd.f32 v5, v56;
	v5 =	vld [tilespmem:s24+$0x19400]  }
0x22a: {  	v59 =	vld [tilespmem:s11+$0x20]  }
0x22b: {  	[tilespmem:s16+$0x90] =	vst v1;
	v0 =	vadd.f32 v0, v7;
	v1 =	vld [tilespmem:s14+$0x20]  }
0x22c: {  	s25 =	sor.u32 $0x60, s15;
	v7 =	vld [tilespmem:s11+$0xA0]  }
0x22d: {  	v3 =	vadd.f32 v3, v6;
	[tilespmem:s16+$0x110] =	vst v0;
	v0 =	vld [tilespmem:s25+$0x19400]  }
0x22e: {  	v2 =	vadd.f32 v8, v57;
	v6 =	vld [tilespmem:s11+$0x120]  }
0x22f: {  	s0 =	sor.u32 $0x70, s29;
	[tilespmem:s16+$0xFFFFFE20] =	vst v3;
	v3 =	vld [tilespmem:s14+$0xA0]  }
0x230: {  	[tilespmem:s16+$0xFFFFFF20] =	vst v2;
	v2 =	vadd.f32 v5, v58;
	v5 =	vld [tilespmem:s0+$0x19400]  }
0x231: {  	v4 =	vld [tilespmem:s11+$0xFFFFFE30]  }
0x232: {  	v8 =	vld [tilespmem:s14+$0xFFFFFF30]  }
0x233: {  	v61 =	vld [tilespmem:s11+$0xFFFFFF30]  }
0x234: {  	v62 =	vld [tilespmem:s14+$0xFFFFFFB0];
	[tilespmem:s16+$0xFFFFFFA0] =	vst v2;
	v1 =	vadd.f32 v1, v59  }
0x235: {  	s26 =	sor.u32 $0x70, s12;
	v2 =	vadd.f32 v53, v52;
	v63 =	vld [tilespmem:s11+$0xFFFFFFB0]  }
0x236: {  	[tilespmem:s16+$0x20] =	vst v1;
	v1 =	vadd.f32 v0, v7;
	v7 =	vld [tilespmem:s26+$0x19400]  }
0x237: {  	[tilespmem:s16+$0x1B0] =	vst v2;
	v3 =	vadd.f32 v3, v6;
	v0 =	vld [tilespmem:s11+$0x30]  }
0x238: {  	v2 =	vld [tilespmem:s14+$0x30];
	[tilespmem:s16+$0xA0] =	vst v1;
	v4 =	vadd.f32 v8, v4  }
0x239: {  	s29 =	sor.u32 $0x70, s15;
	[tilespmem:s16+$0x120] =	vst v3;
	v3 =	vadd.f32 v5, v60;
	v1 =	vld [tilespmem:s11+$0xB0]  }
0x23a: {  	v5 =	vadd.f32 v62, v61;
	[tilespmem:s16+$0xFFFFFE30] =	vst v4;
	v4 =	vld [tilespmem:s29+$0x19400]  }
0x23b: {  	[tilespmem:s16+$0xFFFFFEB0] =	vst v3;
	v3 =	vld [tilespmem:s11+$0x130];
	v6 =	vadd.f32 v7, v63  }
0x23c: {  	s12 =	simm.s32 $0x6E00;
	s11 =	simm.s32 $0x0;
	[tilespmem:s16+$0xFFFFFF30] =	vst v5;
	v5 =	vld [tilespmem:s14+$0xB0]  }
.LBB2_9:
0x23d: {  	v7 =	vld [tilespmem:s12+$0x180];
	[tilespmem:s16+$0xFFFFFFB0] =	vst v6;
	v0 =	vadd.f32 v2, v0;
	s14 =	sadd.s32 $0x200, s14  }
0x23e: {  	v2 =	vld [tilespmem:s14+$0xC0]  }
0x23f: {  	v6 =	vld [tilespmem:s14+$0xFFFFFF00];
	[tilespmem:s16+$0x30] =	vst v0;
	v0 =	vadd.f32 v4, v1  }
0x240: {  	v1 =	vld [tilespmem:s12+$0xFFFFFE80]  }
0x241: {  	s11 =	sadd.s32 $0x8, s11;
	v4 =	vld [tilespmem:s14+$0xFFFFFF40];
	[tilespmem:s16+$0xB0] =	vst v0;
	v0 =	vadd.f32 v5, v3  }
0x242: {  	p0 =	slt.u32 s11, $0xC0;
	v3 =	vld [tilespmem:s12+$0xFFFFFF00]  }
0x243: {  	v5 =	vld [tilespmem:s14+$0xFFFFFF80];
	v2 =	vadd.f32 v2, v7;
	[tilespmem:s16+$0x130] =	vst v0  }
0x244: {  	s16 =	sadd.s32 $0x400, s16;
	v0 =	vld [tilespmem:s12+$0xFFFFFF80]  }
0x245: {  	s18 =	sadd.s32 $0x200, s18;
	v7 =	vld [tilespmem:s14+$0xFFFFFFC0];
	[tilespmem:s16+$0x180] =	vst v2  }
0x246: {  	s2 =	sadd.s32 $0xFFFFFE80, s18;
	s5 =	sadd.s32 $0xFFFFFF00, s18;
	s0 =	sor.u32 $0x50, s18;
	v1 =	vadd.f32 v4, v1;
	v2 =	vld [tilespmem:s12+$0x190]  }
0x247: {  	s13 =	sadd.s32 $0xFFFFFF80, s18;
	s10 =	sor.u32 $0x50, s2;
	s25 =	sor.u32 $0x50, s5;
	v4 =	vld [tilespmem:s0+$0x19400]  }
0x248: {  	s24 =	sor.u32 $0x60, s5;
	s9 =	sor.u32 $0x50, s13;
	s0 =	sor.u32 $0x60, s2;
	[tilespmem:s16+$0xFFFFFE80] =	vst v1;
	v1 =	vadd.f32 v5, v3;
	v3 =	vld [tilespmem:s12+$0x0]  }
0x249: {  	s21 =	sor.u32 $0x70, s2;
	s15 =	sor.u32 $0x70, s5;
	s23 =	sor.u32 $0x60, s13;
	v5 =	vld [tilespmem:s14+$0x0]  }
0x24a: {  	s13 =	sor.u32 $0x70, s13;
	[tilespmem:s16+$0xFFFFFF00] =	vst v1;
	v0 =	vadd.f32 v7, v0;
	v1 =	vld [tilespmem:s12+$0x80]  }
0x24b: {  	v7 =	vld [tilespmem:s14+$0x40]  }
0x24c: {  	[tilespmem:s16+$0xFFFFFF80] =	vst v0;
	v0 =	vld [tilespmem:s12+$0x100];
	v2 =	vadd.f32 v4, v2  }
0x24d: {  	v4 =	vld [tilespmem:s14+$0x80]  }
0x24e: {  	v8 =	vld [tilespmem:s12+$0xFFFFFE00];
	v3 =	vadd.f32 v5, v3;
	[tilespmem:s16+$0x190] =	vst v2  }
0x24f: {  	s2 =	sor.u32 $0x60, s18;
	v2 =	vld [tilespmem:s12+$0x1A0]  }
0x250: {  	[tilespmem:s16+$0x0] =	vst v3;
	v1 =	vadd.f32 v7, v1;
	v3 =	vld [tilespmem:s2+$0x19400]  }
0x251: {  	v5 =	vld [tilespmem:s12+$0xFFFFFE90]  }
0x252: {  	v7 =	vld [tilespmem:s10+$0x19400];
	[tilespmem:s16+$0x80] =	vst v1;
	v0 =	vadd.f32 v4, v0  }
0x253: {  	v1 =	vadd.f32 v6, v8;
	v4 =	vld [tilespmem:s12+$0xFFFFFF10]  }
0x254: {  	v6 =	vld [tilespmem:s14+$0xFFFFFF90];
	[tilespmem:s16+$0x100] =	vst v0  }
0x255: {  	[tilespmem:s16+$0xFFFFFE00] =	vst v1;
	v0 =	vld [tilespmem:s12+$0xFFFFFF90];
	v1 =	vadd.f32 v3, v2  }
0x256: {  	v2 =	vld [tilespmem:s12+$0xFFFFFE10]  }
0x257: {  	v3 =	vld [tilespmem:s14+$0xFFFFFF10];
	v5 =	vadd.f32 v7, v5;
	[tilespmem:s16+$0x1A0] =	vst v1  }
0x258: {  	s2 =	sor.u32 $0x70, s18;
	v1 =	vld [tilespmem:s12+$0x1B0]  }
0x259: {  	[tilespmem:s16+$0xFFFFFE90] =	vst v5;
	v4 =	vadd.f32 v6, v4;
	v5 =	vld [tilespmem:s2+$0x19400]  }
0x25a: {  	v6 =	vld [tilespmem:s25+$0x19400]  }
0x25b: {  	[tilespmem:s16+$0xFFFFFF10] =	vst v4;
	v4 =	vld [tilespmem:s12+$0x10]  }
0x25c: {  	v2 =	vadd.f32 v3, v2;
	v3 =	vld [tilespmem:s14+$0x10]  }
0x25d: {  	v7 =	vld [tilespmem:s12+$0x90]  }
0x25e: {  	[tilespmem:s16+$0xFFFFFE10] =	vst v2;
	v2 =	vld [tilespmem:s9+$0x19400];
	v1 =	vadd.f32 v5, v1  }
0x25f: {  	v0 =	vadd.f32 v6, v0;
	v5 =	vld [tilespmem:s12+$0x110]  }
0x260: {  	v6 =	vld [tilespmem:s14+$0x90];
	[tilespmem:s16+$0x1B0] =	vst v1  }
0x261: {  	v1 =	vld [tilespmem:s12+$0xFFFFFE20];
	[tilespmem:s16+$0xFFFFFF90] =	vst v0;
	v0 =	vadd.f32 v3, v4  }
0x262: {  	v3 =	vld [tilespmem:s14+$0xFFFFFF20]  }
0x263: {  	v4 =	vld [tilespmem:s12+$0xFFFFFEA0];
	[tilespmem:s16+$0x10] =	vst v0;
	v0 =	vadd.f32 v2, v7  }
0x264: {  	v2 =	vld [tilespmem:s0+$0x19400]  }
0x265: {  	v7 =	vld [tilespmem:s12+$0xFFFFFF20];
	[tilespmem:s16+$0x90] =	vst v0;
	v0 =	vadd.f32 v6, v5  }
0x266: {  	v5 =	vld [tilespmem:s14+$0xFFFFFFA0]  }
0x267: {  	v1 =	vadd.f32 v3, v1;
	v3 =	vld [tilespmem:s12+$0xFFFFFFA0];
	[tilespmem:s16+$0x110] =	vst v0  }
0x268: {  	v0 =	vld [tilespmem:s24+$0x19400]  }
0x269: {  	[tilespmem:s16+$0xFFFFFE20] =	vst v1;
	v1 =	vadd.f32 v2, v4;
	v2 =	vld [tilespmem:s12+$0x20]  }
0x26a: {  	v4 =	vld [tilespmem:s14+$0x20]  }
0x26b: {  	[tilespmem:s16+$0xFFFFFEA0] =	vst v1;
	v1 =	vadd.f32 v5, v7;
	v5 =	vld [tilespmem:s12+$0xA0]  }
0x26c: {  	v6 =	vld [tilespmem:s23+$0x19400]  }
0x26d: {  	[tilespmem:s16+$0xFFFFFF20] =	vst v1;
	v0 =	vadd.f32 v0, v3;
	v1 =	vld [tilespmem:s12+$0x120]  }
0x26e: {  	v3 =	vld [tilespmem:s14+$0xA0]  }
0x26f: {  	v7 =	vld [tilespmem:s12+$0xFFFFFE30];
	[tilespmem:s16+$0xFFFFFFA0] =	vst v0;
	v0 =	vadd.f32 v4, v2  }
0x270: {  	v2 =	vld [tilespmem:s14+$0xFFFFFF30]  }
0x271: {  	v4 =	vld [tilespmem:s12+$0xFFFFFEB0];
	[tilespmem:s16+$0x20] =	vst v0;
	v0 =	vadd.f32 v6, v5  }
0x272: {  	v5 =	vld [tilespmem:s21+$0x19400]  }
0x273: {  	v6 =	vld [tilespmem:s12+$0xFFFFFF30];
	[tilespmem:s16+$0xA0] =	vst v0;
	v0 =	vadd.f32 v3, v1  }
0x274: {  	v1 =	vld [tilespmem:s14+$0xFFFFFFB0]  }
0x275: {  	v2 =	vadd.f32 v2, v7;
	v3 =	vld [tilespmem:s12+$0xFFFFFFB0];
	[tilespmem:s16+$0x120] =	vst v0  }
0x276: {  	v7 =	vld [tilespmem:s15+$0x19400]  }
0x277: {  	[tilespmem:s16+$0xFFFFFE30] =	vst v2;
	v4 =	vadd.f32 v5, v4;
	v0 =	vld [tilespmem:s12+$0x30]  }
.Ltmp3:
0x278: {  	v2 =	vld [tilespmem:s14+$0x30];
	(pc) =	sbr.rel @p0 .LBB2_9-.Ltmp3, $4  }
0x279: {  	[tilespmem:s16+$0xFFFFFEB0] =	vst v4;
	v5 =	vadd.f32 v1, v6;
	v1 =	vld [tilespmem:s12+$0xB0]  }
0x27a: {  	v4 =	vld [tilespmem:s13+$0x19400]  }
0x27b: {  	[tilespmem:s16+$0xFFFFFF30] =	vst v5;
	v6 =	vadd.f32 v7, v3;
	v3 =	vld [tilespmem:s12+$0x130]  }
0x27c: {  	s12 =	sadd.s32 $0x400, s12;
	v5 =	vld [tilespmem:s14+$0xB0]  }
0x27d: {  	_ = 	snop  }
0x27e: {  	s19 =	sadd.s32 $0x1, s19  }
0x27f: {  	v0 =	vadd.f32 v2, v0;
	p0 =	sne.s32 s19, $0x8  }
.Ltmp4:
0x280: {  	[tilespmem:s16+$0xFFFFFFB0] =	vst v6;
	v1 =	vadd.f32 v4, v1;
	(pc) =	sbr.rel @p0 .LBB2_2-.Ltmp4, $4  }
0x281: {  	s0 =	smul.u32 $0xC80, s28;
	[tilespmem:s16+$0x30] =	vst v0;
	v63 =	vadd.f32 v5, v3  }
0x282: {  	[tilespmem:s16+$0xB0] =	vst v1  }
0x283: {  	s2 =	simm.s32 $0x13000;
	s0 =	sadd.s32 s6, s0;
	[tilespmem:s16+$0x130] =	vst v63  }
0x284: {  	[hbm4b:s0+s3] =	stream.linear.scatter [tilespmem:s2], [sflag:$0x8], $0x6400, $0x38;
	[tilespmem:$0x1C600] =	vst v63  }
0x285: {  	_ =	swait.ge [sflag:s7], $0x6400  }
0x286: {  	[sflag:s7] =	ssyncset.done $0x0  }
0x287: {  	[sflag:s7] =	ssyncadd.s32 $0xFFFF9C00  }
0x288: {  	_ =	swait.ge [sflag:s17], $0x6400  }
0x289: {  	s2 =	rddreg [dreg:$0xc]  }
0x28a: {  	s0 =	rddreg [dreg:$0xa];
	s2 =	sadd.s32 $0x1, s2  }
0x28b: {  	p0 =	sne.s32 s2, s0  }
.Ltmp5:
0x28c: {  	_ = 	snop;
	(pc) =	sbr.rel @p0 .LBB2_1-.Ltmp5, $3  }
0x28d: {  	_ =	sdelay $0x1  }
0x28e: {  	[sflag:s17] =	ssyncset.done $0x0  }
0x28f: {  	[sflag:s17] =	ssyncadd.s32 $0xFFFF9C00  }
0x290: {  	_ =	sfence.sel $0x180000  }
0x291: {  	[bflag:$0x0] =	sbarrier.arrive $0xFFFF  }
0x292: {  	_ =	strace $0x90000047  }
0x293: {  	s0 =	stileid.u32;
	[bflag:$0x2] =	sbarrier.arrive $0xFFFF  }
0x294: {  	p0 =	sne.s32 s0, $0x0;
	s0 =	rddreg [dreg:$0x2]  }
0x295: {  	s0 =	sadd.s32 @!p0 $0x100000, s0  }
0x296: {  	[sflag:s0] =	ssyncadd.tile.s32 @!p0 $0x1;
	_ =	shalt  }
.Lfunc_end2:
_tile_overlayer_lowered:
.L_overlay_start_2:
0x297: {  	(tag) =	ssettag $0x2  }
0x298: {  	s0 =	rddreg [dreg:$0x0];
	s2 =	stileid.u32  }
0x299: {  	s1 =	rddreg [dreg:$0x1];
	p0 =	sne.s32 s2, $0x0  }
0x29a: {  	s3 =	rddreg [dreg:$0x2];
	[bflag:$0x3] =	sbarrier.arrive $0xFFFF;
	s2 =	simm.s32 @!p0 $0x1C09  }
0x29b: {  	[timem:s3], [sflag:s2] =	dma.local @!p0 [hbm:s0], s1  }
0x29c: {  	s0 =	simm.s32 @!p0 $0x9  }
0x29d: {  	_ =	swait.ge @!p0 [sflag:s0], s1  }
0x29e: {  	s1 =	ssub.s32 @!p0 $0x0, s1;
	[sflag:s0] =	ssyncset.done @!p0 $0x0  }
0x29f: {  	[sflag:s0] =	ssyncadd.s32 @!p0 s1  }
0x2a0: {  	[bflag:$0x3] =	sbarrier.arrive $0xFFFF  }
0x2a1: {  	_ =	shalt  }

</sc_bundles>
